<compile_context>
chip_gen: v7x
topology: tpu7x:2x2x1
jax: 0.10.2.dev20260603
libtpu: 0.0.44.dev20260713+nightly
codegen_flags: <defaults>
</compile_context>

<pallas_src>
import functools

import jax
import jax.numpy as jnp
from jax import lax
from jax.experimental import pallas as pl
from jax.experimental.pallas import tpu as pltpu
from jax.experimental.pallas import tpu_sc as plsc

N = 50000
E = 800000
G = 128

NC = 2
NS = 16
NW = NC * NS

NPAD = 50176
ROWS = NPAD // 128
SL = NPAD // NS
ER = E // 128
NCH = 200
TAIL_CH = ER - (NW - 1) * NCH
TCG = 7
LW = NPAD // TCG

_mesh = plsc.VectorSubcoreMesh(
    core_axis_name="c", subcore_axis_name="s", num_cores=NC, num_subcores=NS)
_sc_params = pltpu.CompilerParams(needs_layout_passes=False,
                                  use_tc_tiling_on_sc=False)


def _fill(buf, n16, value):
    def body(i, _):
        buf[pl.ds(i * 16, 16)] = jnp.full((16,), value, jnp.float32)
        return 0
    lax.fori_loop(0, n16, body, 0)


def _fire_drain(vals_at, acc_sh, didx_v, sem, nch):
    def fire(j, _):
        pltpu.async_copy(vals_at(j), acc_sh.at[didx_v.at[pl.ds(j * 128, 128)]],
                         sem, add=True)
        return 0
    lax.fori_loop(0, nch, fire, 0)

    def drain(j, _):
        pltpu.make_async_copy(vals_at(0),
                              acc_sh.at[didx_v.at[pl.ds(0, 128)]], sem).wait()
        return 0
    lax.fori_loop(0, nch, drain, 0)


EPT = NCH * 128
TAIL_E = TAIL_CH * 128


def _load_edge_rows(ei_hbm, row, idx_v, wid):
    @pl.when(wid < NW - 1)
    def _():
        pltpu.sync_copy(ei_hbm.at[row, pl.ds(wid * EPT, EPT)], idx_v)

    @pl.when(wid == NW - 1)
    def _():
        pltpu.sync_copy(ei_hbm.at[row, pl.ds((NW - 1) * EPT, TAIL_E)],
                        idx_v.at[pl.ds(0, TAIL_E)])
    return jnp.where(wid == NW - 1, TAIL_CH, NCH)


@functools.partial(
    pl.kernel,
    out_type=(jax.ShapeDtypeStruct((2 * NPAD,), jnp.float32),
              jax.ShapeDtypeStruct((256,), jnp.float32)),
    mesh=_mesh,
    scratch_types=[
        pltpu.VMEM((NCH * 128,), jnp.int32),
        pltpu.VMEM((128,), jnp.float32),
        pltpu.VMEM((SL,), jnp.float32),
        pltpu.VMEM_SHARED((NPAD,), jnp.float32),
        pltpu.VMEM_SHARED((256,), jnp.float32),
        pltpu.SemaphoreType.DMA,
    ],
    compiler_params=_sc_params,
)
def _deg_kernel(ei_hbm, batch_hbm, hist_hbm, cnt_hbm,
                didx_v, ones_v, zbuf_v, deg_sh, cnt_sh, sem):
    c = lax.axis_index("c")
    s = lax.axis_index("s")
    wid = c * NS + s

    _fill(zbuf_v, SL // 16, 0.0)
    pltpu.sync_copy(zbuf_v, deg_sh.at[pl.ds(s * SL, SL)])

    @pl.when(jnp.logical_and(c == 0, s == 0))
    def _():
        pltpu.sync_copy(zbuf_v.at[pl.ds(0, 256)], cnt_sh)

    _fill(ones_v, 8, 1.0)
    plsc.subcore_barrier()

    nch = _load_edge_rows(ei_hbm, 1, didx_v, wid)
    _fire_drain(lambda j: ones_v, deg_sh, didx_v, sem, nch)

    nrows = jnp.where(s < NS - 1, 24, 32)

    @pl.when(jnp.logical_and(c == 0, s < NS - 1))
    def _():
        pltpu.sync_copy(batch_hbm.at[pl.ds(s * 24 * 128, 24 * 128)],
                        didx_v.at[pl.ds(0, 24 * 128)])

    @pl.when(jnp.logical_and(c == 0, s == NS - 1))
    def _():
        pltpu.sync_copy(batch_hbm.at[pl.ds((NS - 1) * 24 * 128, 32 * 128)],
                        didx_v.at[pl.ds(0, 32 * 128)])

    @pl.when(c == 0)
    def _():
        _fire_drain(lambda j: ones_v, cnt_sh, didx_v, sem, nrows)

    plsc.subcore_barrier()

    pltpu.sync_copy(deg_sh.at[pl.ds(s * SL, SL)], zbuf_v)
    pltpu.sync_copy(zbuf_v, hist_hbm.at[pl.ds(c * NPAD + s * SL, SL)])

    @pl.when(jnp.logical_and(c == 0, s == 0))
    def _():
        pltpu.sync_copy(cnt_sh, zbuf_v.at[pl.ds(0, 256)])
        pltpu.sync_copy(zbuf_v.at[pl.ds(0, 256)], cnt_hbm)


@functools.partial(
    pl.kernel,
    out_type=jax.ShapeDtypeStruct((2 * NPAD,), jnp.float32),
    mesh=_mesh,
    scratch_types=[
        pltpu.VMEM((NCH * 128,), jnp.int32),
        pltpu.VMEM((NCH * 128,), jnp.int32),
        pltpu.VMEM((NCH * 128,), jnp.float32),
        pltpu.VMEM_SHARED((NPAD,), jnp.float32),
        pltpu.VMEM_SHARED((NPAD,), jnp.float32),
        pltpu.SemaphoreType.DMA,
        pltpu.SemaphoreType.DMA,
    ],
    compiler_params=_sc_params,
)
def _gs_kernel(ei_hbm, hist_hbm, x_hbm, t_hbm,
               sidx_v, didx_v, gvals_v, a_sh, t_sh, sem, ssem):
    c = lax.axis_index("c")
    s = lax.axis_index("s")
    wid = c * NS + s

    _fill(gvals_v, SL // 16, 0.0)
    pltpu.sync_copy(gvals_v.at[pl.ds(0, SL)], t_sh.at[pl.ds(s * SL, SL)])

    pltpu.sync_copy(hist_hbm.at[pl.ds(s * SL, SL)], gvals_v.at[pl.ds(0, SL)])
    pltpu.sync_copy(hist_hbm.at[pl.ds(NPAD + s * SL, SL)],
                    gvals_v.at[pl.ds(SL, SL)])
    pltpu.sync_copy(x_hbm.at[pl.ds(s * SL, SL)], gvals_v.at[pl.ds(2 * SL, SL)])

    def newton(k, _):
        d = (gvals_v[pl.ds(k * 16, 16)]
             + gvals_v[pl.ds(SL + k * 16, 16)] + 1.0)
        i = jnp.int32(0x5F3759DF) - lax.shift_right_logical(
            plsc.bitcast(d, jnp.int32), 1)
        y = plsc.bitcast(i, jnp.float32)
        y = y * (1.5 - 0.5 * d * y * y)
        y = y * (1.5 - 0.5 * d * y * y)
        y = y * (1.5 - 0.5 * d * y * y)
        gvals_v[pl.ds(3 * SL + k * 16, 16)] = (
            gvals_v[pl.ds(2 * SL + k * 16, 16)] * y)
        return 0
    lax.fori_loop(0, SL // 16, newton, 0)

    pltpu.sync_copy(gvals_v.at[pl.ds(3 * SL, SL)], a_sh.at[pl.ds(s * SL, SL)])
    plsc.subcore_barrier()

    _load_edge_rows(ei_hbm, 0, sidx_v, wid)
    nch = _load_edge_rows(ei_hbm, 1, didx_v, wid)

    K = 8

    def gfire(j):
        pltpu.async_copy(a_sh.at[sidx_v.at[pl.ds(j * 128, 128)]],
                         gvals_v.at[pl.ds(j * 128, 128)], sem)

    def prime(j, _):
        gfire(j)
        return 0
    lax.fori_loop(0, K, prime, 0)

    def step(j, _):
        pltpu.make_async_copy(a_sh.at[sidx_v.at[pl.ds(0, 128)]],
                              gvals_v.at[pl.ds(0, 128)], sem).wait()
        pltpu.async_copy(gvals_v.at[pl.ds(j * 128, 128)],
                         t_sh.at[didx_v.at[pl.ds(j * 128, 128)]],
                         ssem, add=True)

        @pl.when(j + K < nch)
        def _():
            gfire(j + K)
        return 0
    lax.fori_loop(0, nch, step, 0)

    def sdrain(j, _):
        pltpu.make_async_copy(gvals_v.at[pl.ds(0, 128)],
                              t_sh.at[didx_v.at[pl.ds(0, 128)]], ssem).wait()
        return 0
    lax.fori_loop(0, nch, sdrain, 0)
    plsc.subcore_barrier()

    pltpu.sync_copy(t_sh.at[pl.ds(s * SL, SL)], gvals_v.at[pl.ds(0, SL)])
    pltpu.sync_copy(gvals_v.at[pl.ds(0, SL)],
                    t_hbm.at[pl.ds(c * NPAD + s * SL, SL)])


def _head_body(t_ref, h_ref, x_ref, b_ref, cnt_ref,
               w1t_ref, b1t_ref, w2_ref, b2_ref, w3a_ref, w3b_ref, b3_ref,
               w4_ref, b4_ref, y_ref, out_ref, acc):
    i = pl.program_id(0)

    @pl.when(i == 0)
    def _():
        acc[...] = jnp.zeros_like(acc)

    d = h_ref[0, 0] + h_ref[1, 0] + 1.0
    t = t_ref[0, 0] + t_ref[1, 0]
    s = lax.rsqrt(d) * t + x_ref[0] / d
    b = b_ref[0].astype(jnp.bfloat16)

    mat_t = jnp.maximum(
        jnp.broadcast_to(w1t_ref[...], (G, LW))
        * jnp.broadcast_to(s, (G, LW))
        + jnp.broadcast_to(b1t_ref[...], (G, LW)), 0.0)

    gid = lax.broadcasted_iota(jnp.int32, (G, 1), 0).astype(jnp.bfloat16)
    oh = (jnp.broadcast_to(gid, (G, LW))
          == jnp.broadcast_to(b, (G, LW))).astype(jnp.bfloat16)

    hi = mat_t.astype(jnp.bfloat16)
    lo = (mat_t - hi.astype(jnp.float32)).astype(jnp.bfloat16)
    nt = (((1,), (1,)), ((), ()))
    acc[...] += (
        lax.dot_general(oh, hi, nt, preferred_element_type=jnp.float32)
        + lax.dot_general(oh, lo, nt, preferred_element_type=jnp.float32))

    @pl.when(i == TCG - 1)
    def _():
        pooled = acc[...] / jnp.maximum(cnt_ref[...], 1.0)
        emb = jnp.maximum(
            jnp.dot(pooled, w2_ref[...],
                    precision=lax.Precision.HIGHEST) + b2_ref[...], 0.0)
        h3 = jnp.maximum(
            jnp.dot(emb, w3a_ref[...], precision=lax.Precision.HIGHEST)
            + y_ref[...] * w3b_ref[...] + b3_ref[...], 0.0)
        out_ref[...] = (
            jnp.dot(h3, w4_ref[...], precision=lax.Precision.HIGHEST)
            + b4_ref[...])


def _head_call(t4, h4, x3, b3d, cnt_col, w1t, b1t, w2, b2r,
               w3a, w3b, b3r, w4, b4r, ycol):
    blk = pl.BlockSpec((1, 1, LW), lambda i: (i, 0, 0))
    blk2 = pl.BlockSpec((2, 1, 1, LW), lambda i: (0, i, 0, 0))
    full = lambda shape: pl.BlockSpec(shape, lambda i: tuple(0 for _ in shape))
    return pl.pallas_call(
        _head_body,
        grid=(TCG,),
        in_specs=[
            blk2, blk2, blk, blk,
            full((G, 1)),
            full((G, 1)), full((G, 1)),
            full((128, 64)), full((1, 64)),
            full((64, 32)), full((1, 32)), full((1, 32)),
            full((32, 1)), full((1, 1)),
            full((G, 1)),
        ],
        out_specs=pl.BlockSpec((G, 1), lambda i: (0, 0)),
        out_shape=jax.ShapeDtypeStruct((G, 1), jnp.float32),
        scratch_shapes=[pltpu.VMEM((G, G), jnp.float32)],
    )(t4, h4, x3, b3d, cnt_col, w1t, b1t, w2, b2r, w3a, w3b, b3r,
      w4, b4r, ycol)


def kernel(x, edge_index, batch, y, W1, b1, W2, b2, W3, b3, W4, b4):
    x_flat = jnp.pad(x.reshape(-1), (0, NPAD - N))
    batch_p = jnp.pad(batch, (0, NPAD - N), constant_values=G)

    hist, cnt = _deg_kernel(edge_index, batch_p)
    t = _gs_kernel(edge_index, hist, x_flat)

    out = _head_call(
        t.reshape(2, TCG, 1, LW),
        hist.reshape(2, TCG, 1, LW),
        x_flat.reshape(TCG, 1, LW),
        batch_p.reshape(TCG, 1, LW),
        cnt[:G].reshape(G, 1),
        W1.reshape(G, 1), b1.reshape(G, 1),
        W2, b2.reshape(1, 64),
        W3[:64], W3[64:65], b3.reshape(1, 32),
        W4, b4.reshape(1, 1),
        y.reshape(G, 1),
    )
    return out.reshape(-1)

# --- scband reference (transcript-rebuilt; emitter-appended) ---
"""Pipeline reference for scband-gnnmodel-61332132986974 (READ-ONLY COPY).

The authoritative reference and input builder live on the scoring server;
editing this copy changes nothing except your own understanding.
"""

import jax, jax.numpy as jnp
import numpy as np

N = 50000
E = 800000
G = 128

def setup_inputs(seed: int = 0):
    key = jax.random.key(seed)
    ks = jax.random.split(key, 12)
    x = jax.random.normal(ks[0], (N, 1), dtype=jnp.float32)
    edge_index = jax.random.randint(ks[1], (2, E), 0, N, dtype=jnp.int32)
    batch = jnp.sort(jax.random.randint(ks[2], (N,), 0, G, dtype=jnp.int32))
    y = jax.random.normal(ks[3], (G,), dtype=jnp.float32)
    W1 = jax.random.normal(ks[4], (1, 128), dtype=jnp.float32) * 0.1
    b1 = jnp.zeros((128,), dtype=jnp.float32)
    W2 = jax.random.normal(ks[5], (128, 64), dtype=jnp.float32) * 0.1
    b2 = jnp.zeros((64,), dtype=jnp.float32)
    W3 = jax.random.normal(ks[6], (65, 32), dtype=jnp.float32) * 0.1
    b3 = jnp.zeros((32,), dtype=jnp.float32)
    W4 = jax.random.normal(ks[7], (32, 1), dtype=jnp.float32) * 0.1
    b4 = jnp.zeros((1,), dtype=jnp.float32)
    return {"x": x, "edge_index": edge_index, "batch": batch, "y": y,
            "W1": W1, "b1": b1, "W2": W2, "b2": b2,
            "W3": W3, "b3": b3, "W4": W4, "b4": b4}

def _gcn_conv(x, edge_index, W, b):
    # Faithful PyG GCNConv: add self-loops, symmetric normalization, linear, scatter-add, bias
    n = x.shape[0]
    loop = jnp.arange(n, dtype=edge_index.dtype)
    src = jnp.concatenate([edge_index[0], loop])
    dst = jnp.concatenate([edge_index[1], loop])
    deg = jnp.zeros((n,), dtype=x.dtype).at[dst].add(1.0)
    dis = jnp.where(deg > 0, jax.lax.rsqrt(deg), 0.0)
    norm = dis[src] * dis[dst]
    h = x @ W
    msg = h[src] * norm[:, None]
    out = jnp.zeros((n, W.shape[1]), dtype=x.dtype).at[dst].add(msg)
    return out + b

def reference(x, edge_index, batch, y, W1, b1, W2, b2, W3, b3, W4, b4):
    h = _gcn_conv(x, edge_index, W1, b1)
    h = jax.nn.relu(h)
    # global_mean_pool over graph-assignment vector `batch`
    sums = jax.ops.segment_sum(h, batch, num_segments=G)
    cnts = jax.ops.segment_sum(jnp.ones((h.shape[0],), dtype=h.dtype), batch, num_segments=G)
    pooled = sums / jnp.maximum(cnts, 1.0)[:, None]
    emb = jax.nn.relu(pooled @ W2 + b2)
    drug = y.reshape(-1, 1)
    concat = jnp.concatenate([emb, drug], axis=-1)
    out = jax.nn.relu(concat @ W3 + b3)
    # nn.Dropout(p=0.1) is identity in eval mode
    out = out @ W4 + b4
    return out.reshape(-1)

if __name__ == "__main__":
    import jax
    _d = setup_inputs()
    print(jax.jit(kernel)(*tuple(_d.values())))

</pallas_src>

<mosaic_0001>
#map = affine_map<(d0, d1) -> (0, 0)>
#map1 = affine_map<(d0, d1) -> (0)>
module attributes {stable_mosaic.version = 14 : i64} {
  func.func @_deg_kernel(%arg0: i32, %arg1: i32, %arg2: memref<2x800000xi32, #tpu.memory_space<hbm>>, %arg3: memref<50176xi32, #tpu.memory_space<hbm>>, %arg4: memref<100352xf32, #tpu.memory_space<hbm>>, %arg5: memref<256xf32, #tpu.memory_space<hbm>>, %arg6: memref<25600xi32, #tpu.memory_space<vmem>>, %arg7: memref<128xf32, #tpu.memory_space<vmem>>, %arg8: memref<3136xf32, #tpu.memory_space<vmem>>, %arg9: memref<50176xf32, #tpu.memory_space<vmem_shared>>, %arg10: memref<256xf32, #tpu.memory_space<vmem_shared>>, %arg11: memref<!tpu.dma_semaphore, #tpu.memory_space<semaphore_mem>>) attributes {dimension_semantics = [#tpu.dimension_semantics<core_parallel>, #tpu.dimension_semantics<subcore_parallel>], iteration_bounds = array<i64: 2, 16>, scalar_prefetch = 0 : i64, scratch_operands = 6 : i64, tpu.core_type = #tpu.core_type<sc_vector_subcore>, window_params = [{transform_indices = #map}, {transform_indices = #map1}, {transform_indices = #map1}, {transform_indices = #map1}]} {
    %mul3A = arith.constant 16 : i32
    %mul3A_0 = arith.muli %arg0, %mul3A : i32
    %add3A = arith.addi %mul3A_0, %arg1 : i32
    %scan3A = arith.constant 0 : i32
    %scan3A_1 = arith.constant 0 : i32
    %scan3A_2 = arith.constant 196 : i32
    %scan3A_3 = arith.addi %scan3A_1, %scan3A_2 : i32
    %scan3A_4 = arith.constant 1 : i32
    %scan3A_5 = scf.for %scan3A_97 = %scan3A_1 to %scan3A_3 step %scan3A_4 iter_args(%scan3A_98 = %scan3A) -> (i32)  : i32 {
      %broadcast_in_dim3A = arith.constant 0.000000e+00 : f32
      %broadcast_in_dim3A_99 = vector.broadcast %broadcast_in_dim3A : f32 to vector<16xf32>
      %mul3A_100 = arith.constant 16 : i32
      %mul3A_101 = arith.muli %scan3A_97, %mul3A_100 : i32
      %swap3A = arith.index_cast %mul3A_101 : i32 to index
      %swap3A_102 = tpu.vector_load %arg8[%swap3A] {strides = array<i32>} : memref<3136xf32, #tpu.memory_space<vmem>>, vector<16xf32>,
      tpu.vector_store %arg8[%swap3A], %broadcast_in_dim3A_99 {strides = array<i32>} : memref<3136xf32, #tpu.memory_space<vmem>>, vector<16xf32>,
      %scan3A_103 = arith.constant 0 : i32
      scf.yield %scan3A_103 : i32
    }
    %scan3A_6 = arith.constant 196 : i32
    %mul3A_7 = arith.constant 3136 : i32
    %mul3A_8 = arith.muli %arg1, %mul3A_7 : i32
    "tpu.region"() ({
      %run_scoped3A = tpu.sem_alloc : memref<!tpu.dma_semaphore, #tpu.memory_space<semaphore_mem>>
      %dma_start3A = tpu.memref_slice %arg9[%mul3A_8] : memref<50176xf32, #tpu.memory_space<vmem_shared>> -> memref<3136xf32, #tpu.memory_space<vmem_shared>>
      %dma_start3A_97 = tpu.memref_slice %arg9[%mul3A_8] : memref<50176xf32, #tpu.memory_space<vmem_shared>> -> memref<3136xf32, #tpu.memory_space<vmem_shared>>
      tpu.enqueue_dma source(%arg8 : memref<3136xf32, #tpu.memory_space<vmem>>) target(%dma_start3A_97 : memref<3136xf32, #tpu.memory_space<vmem_shared>>) target_semaphore(%run_scoped3A : memref<!tpu.dma_semaphore, #tpu.memory_space<semaphore_mem>>)
      %dma_wait3A = tpu.memref_slice %arg9[%mul3A_8] : memref<50176xf32, #tpu.memory_space<vmem_shared>> -> memref<3136xf32, #tpu.memory_space<vmem_shared>>
      %dma_wait3A_98 = tpu.memref_slice %arg9[%mul3A_8] : memref<50176xf32, #tpu.memory_space<vmem_shared>> -> memref<3136xf32, #tpu.memory_space<vmem_shared>>
      tpu.wait_dma2 semaphore(%run_scoped3A : memref<!tpu.dma_semaphore, #tpu.memory_space<semaphore_mem>>) src(%arg8 : memref<3136xf32, #tpu.memory_space<vmem>>) dst(%dma_wait3A_98 : memref<3136xf32, #tpu.memory_space<vmem_shared>>)
      tpu.yield
    }) : () -> ()
    %eq3A = arith.constant 0 : i32
    %eq3A_9 = arith.cmpi eq, %arg0, %eq3A : i32
    %eq3A_10 = arith.constant 0 : i32
    %eq3A_11 = arith.cmpi eq, %arg1, %eq3A_10 : i32
    %and3A = arith.andi %eq3A_9, %eq3A_11 : i1
    %convert_element_type3A = arith.extui %and3A : i1 to i32
    %cond3A = arith.constant 0 : i32
    %cond3A_12 = arith.cmpi ne, %convert_element_type3A, %cond3A : i32
    scf.if %cond3A_12 {
      "tpu.region"() ({
        %run_scoped3A = tpu.sem_alloc : memref<!tpu.dma_semaphore, #tpu.memory_space<semaphore_mem>>
        %dma_start3A = arith.constant 0 : i32
        %dma_start3A_97 = tpu.memref_slice %arg8[%dma_start3A] : memref<3136xf32, #tpu.memory_space<vmem>> -> memref<256xf32, #tpu.memory_space<vmem>>
        %dma_start3A_98 = arith.constant 0 : i32
        %dma_start3A_99 = tpu.memref_slice %arg8[%dma_start3A_98] : memref<3136xf32, #tpu.memory_space<vmem>> -> memref<256xf32, #tpu.memory_space<vmem>>
        tpu.enqueue_dma source(%dma_start3A_99 : memref<256xf32, #tpu.memory_space<vmem>>) target(%arg10 : memref<256xf32, #tpu.memory_space<vmem_shared>>) target_semaphore(%run_scoped3A : memref<!tpu.dma_semaphore, #tpu.memory_space<semaphore_mem>>)
        %dma_wait3A = arith.constant 0 : i32
        %dma_wait3A_100 = tpu.memref_slice %arg8[%dma_wait3A] : memref<3136xf32, #tpu.memory_space<vmem>> -> memref<256xf32, #tpu.memory_space<vmem>>
        %dma_wait3A_101 = arith.constant 0 : i32
        %dma_wait3A_102 = tpu.memref_slice %arg8[%dma_wait3A_101] : memref<3136xf32, #tpu.memory_space<vmem>> -> memref<256xf32, #tpu.memory_space<vmem>>
        tpu.wait_dma2 semaphore(%run_scoped3A : memref<!tpu.dma_semaphore, #tpu.memory_space<semaphore_mem>>) src(%dma_wait3A_102 : memref<256xf32, #tpu.memory_space<vmem>>) dst(%arg10 : memref<256xf32, #tpu.memory_space<vmem_shared>>)
        tpu.yield
      }) : () -> ()
    } else {
    }
    %scan3A_13 = arith.constant 0 : i32
    %scan3A_14 = arith.constant 0 : i32
    %scan3A_15 = arith.constant 8 : i32
    %scan3A_16 = arith.addi %scan3A_14, %scan3A_15 : i32
    %scan3A_17 = arith.constant 1 : i32
    %scan3A_18 = scf.for %scan3A_97 = %scan3A_14 to %scan3A_16 step %scan3A_17 iter_args(%scan3A_98 = %scan3A_13) -> (i32)  : i32 {
      %broadcast_in_dim3A = arith.constant 1.000000e+00 : f32
      %broadcast_in_dim3A_99 = vector.broadcast %broadcast_in_dim3A : f32 to vector<16xf32>
      %mul3A_100 = arith.constant 16 : i32
      %mul3A_101 = arith.muli %scan3A_97, %mul3A_100 : i32
      %swap3A = arith.index_cast %mul3A_101 : i32 to index
      %swap3A_102 = tpu.vector_load %arg7[%swap3A] {strides = array<i32>} : memref<128xf32, #tpu.memory_space<vmem>>, vector<16xf32>,
      tpu.vector_store %arg7[%swap3A], %broadcast_in_dim3A_99 {strides = array<i32>} : memref<128xf32, #tpu.memory_space<vmem>>, vector<16xf32>,
      %scan3A_103 = arith.constant 0 : i32
      scf.yield %scan3A_103 : i32
    }
    %scan3A_19 = arith.constant 8 : i32
    %barrier3A = arith.constant 0 : index
    tpu.barrier barrier_id(%barrier3A)
    %lt3A = arith.constant 31 : i32
    %lt3A_20 = arith.cmpi slt, %add3A, %lt3A : i32
    %convert_element_type3A_21 = arith.extui %lt3A_20 : i1 to i32
    %cond3A_22 = arith.constant 0 : i32
    %cond3A_23 = arith.cmpi ne, %convert_element_type3A_21, %cond3A_22 : i32
    scf.if %cond3A_23 {
      %mul3A_97 = arith.constant 25600 : i32
      %mul3A_98 = arith.muli %add3A, %mul3A_97 : i32
      %run_scoped3A = arith.constant 1 : i32
      "tpu.region"() ({
        %run_scoped3A_99 = tpu.sem_alloc : memref<!tpu.dma_semaphore, #tpu.memory_space<semaphore_mem>>
        %dma_start3A = tpu.memref_slice %arg2[%run_scoped3A, %mul3A_98] : memref<2x800000xi32, #tpu.memory_space<hbm>> -> memref<1x25600xi32, #tpu.memory_space<hbm>>
        %dma_start3A_100 = tpu.memref_squeeze %dma_start3A : memref<1x25600xi32, #tpu.memory_space<hbm>> -> memref<25600xi32, #tpu.memory_space<hbm>>
        %dma_start3A_101 = tpu.memref_slice %arg2[%run_scoped3A, %mul3A_98] : memref<2x800000xi32, #tpu.memory_space<hbm>> -> memref<1x25600xi32, #tpu.memory_space<hbm>>
        %dma_start3A_102 = tpu.memref_squeeze %dma_start3A_101 : memref<1x25600xi32, #tpu.memory_space<hbm>> -> memref<25600xi32, #tpu.memory_space<hbm>>
        tpu.enqueue_dma source(%dma_start3A_102 : memref<25600xi32, #tpu.memory_space<hbm>>) target(%arg6 : memref<25600xi32, #tpu.memory_space<vmem>>) target_semaphore(%run_scoped3A_99 : memref<!tpu.dma_semaphore, #tpu.memory_space<semaphore_mem>>)
        %dma_wait3A = tpu.memref_slice %arg2[%run_scoped3A, %mul3A_98] : memref<2x800000xi32, #tpu.memory_space<hbm>> -> memref<1x25600xi32, #tpu.memory_space<hbm>>
        %dma_wait3A_103 = tpu.memref_squeeze %dma_wait3A : memref<1x25600xi32, #tpu.memory_space<hbm>> -> memref<25600xi32, #tpu.memory_space<hbm>>
        %dma_wait3A_104 = tpu.memref_slice %arg2[%run_scoped3A, %mul3A_98] : memref<2x800000xi32, #tpu.memory_space<hbm>> -> memref<1x25600xi32, #tpu.memory_space<hbm>>
        %dma_wait3A_105 = tpu.memref_squeeze %dma_wait3A_104 : memref<1x25600xi32, #tpu.memory_space<hbm>> -> memref<25600xi32, #tpu.memory_space<hbm>>
        tpu.wait_dma2 semaphore(%run_scoped3A_99 : memref<!tpu.dma_semaphore, #tpu.memory_space<semaphore_mem>>) src(%dma_wait3A_105 : memref<25600xi32, #tpu.memory_space<hbm>>) dst(%arg6 : memref<25600xi32, #tpu.memory_space<vmem>>)
        tpu.yield
      }) : () -> ()
    } else {
    }
    %eq3A_24 = arith.constant 31 : i32
    %eq3A_25 = arith.cmpi eq, %add3A, %eq3A_24 : i32
    %convert_element_type3A_26 = arith.extui %eq3A_25 : i1 to i32
    %cond3A_27 = arith.constant 0 : i32
    %cond3A_28 = arith.cmpi ne, %convert_element_type3A_26, %cond3A_27 : i32
    scf.if %cond3A_28 {
      %run_scoped3A = arith.constant 1 : i32
      "tpu.region"() ({
        %run_scoped3A_97 = tpu.sem_alloc : memref<!tpu.dma_semaphore, #tpu.memory_space<semaphore_mem>>
        %dma_start3A = arith.constant 0 : i32
        %dma_start3A_98 = tpu.memref_slice %arg6[%dma_start3A] : memref<25600xi32, #tpu.memory_space<vmem>> -> memref<6400xi32, #tpu.memory_space<vmem>>
        %dma_start3A_99 = arith.constant 793600 : i32
        %dma_start3A_100 = tpu.memref_slice %arg2[%run_scoped3A, %dma_start3A_99] : memref<2x800000xi32, #tpu.memory_space<hbm>> -> memref<1x6400xi32, #tpu.memory_space<hbm>>
        %dma_start3A_101 = tpu.memref_squeeze %dma_start3A_100 : memref<1x6400xi32, #tpu.memory_space<hbm>> -> memref<6400xi32, #tpu.memory_space<hbm>>
        %dma_start3A_102 = arith.constant 0 : i32
        %dma_start3A_103 = tpu.memref_slice %arg6[%dma_start3A_102] : memref<25600xi32, #tpu.memory_space<vmem>> -> memref<6400xi32, #tpu.memory_space<vmem>>
        %dma_start3A_104 = arith.constant 793600 : i32
        %dma_start3A_105 = tpu.memref_slice %arg2[%run_scoped3A, %dma_start3A_104] : memref<2x800000xi32, #tpu.memory_space<hbm>> -> memref<1x6400xi32, #tpu.memory_space<hbm>>
        %dma_start3A_106 = tpu.memref_squeeze %dma_start3A_105 : memref<1x6400xi32, #tpu.memory_space<hbm>> -> memref<6400xi32, #tpu.memory_space<hbm>>
        tpu.enqueue_dma source(%dma_start3A_106 : memref<6400xi32, #tpu.memory_space<hbm>>) target(%dma_start3A_103 : memref<6400xi32, #tpu.memory_space<vmem>>) target_semaphore(%run_scoped3A_97 : memref<!tpu.dma_semaphore, #tpu.memory_space<semaphore_mem>>)
        %dma_wait3A = arith.constant 0 : i32
        %dma_wait3A_107 = tpu.memref_slice %arg6[%dma_wait3A] : memref<25600xi32, #tpu.memory_space<vmem>> -> memref<6400xi32, #tpu.memory_space<vmem>>
        %dma_wait3A_108 = arith.constant 793600 : i32
        %dma_wait3A_109 = tpu.memref_slice %arg2[%run_scoped3A, %dma_wait3A_108] : memref<2x800000xi32, #tpu.memory_space<hbm>> -> memref<1x6400xi32, #tpu.memory_space<hbm>>
        %dma_wait3A_110 = tpu.memref_squeeze %dma_wait3A_109 : memref<1x6400xi32, #tpu.memory_space<hbm>> -> memref<6400xi32, #tpu.memory_space<hbm>>
        %dma_wait3A_111 = arith.constant 0 : i32
        %dma_wait3A_112 = tpu.memref_slice %arg6[%dma_wait3A_111] : memref<25600xi32, #tpu.memory_space<vmem>> -> memref<6400xi32, #tpu.memory_space<vmem>>
        %dma_wait3A_113 = arith.constant 793600 : i32
        %dma_wait3A_114 = tpu.memref_slice %arg2[%run_scoped3A, %dma_wait3A_113] : memref<2x800000xi32, #tpu.memory_space<hbm>> -> memref<1x6400xi32, #tpu.memory_space<hbm>>
        %dma_wait3A_115 = tpu.memref_squeeze %dma_wait3A_114 : memref<1x6400xi32, #tpu.memory_space<hbm>> -> memref<6400xi32, #tpu.memory_space<hbm>>
        tpu.wait_dma2 semaphore(%run_scoped3A_97 : memref<!tpu.dma_semaphore, #tpu.memory_space<semaphore_mem>>) src(%dma_wait3A_115 : memref<6400xi32, #tpu.memory_space<hbm>>) dst(%dma_wait3A_112 : memref<6400xi32, #tpu.memory_space<vmem>>)
        tpu.yield
      }) : () -> ()
    } else {
    }
    %eq3A_29 = arith.constant 31 : i32
    %eq3A_30 = arith.cmpi eq, %add3A, %eq3A_29 : i32
    %jit3A = arith.constant 50 : i32
    %jit3A_31 = arith.constant 200 : i32
    %select_n3A = arith.select %eq3A_30, %jit3A, %jit3A_31 : i32
    %while3A = arith.constant 0 : i32
    %while3A_32 = arith.constant 0 : i32
    %while3A_33 = arith.subi %select_n3A, %while3A : i32
    %while3A_34 = arith.addi %while3A, %while3A_33 : i32
    %while3A_35 = arith.constant 1 : i32
    %while3A_36 = arith.divsi %while3A_33, %while3A_35 : i32
    %while3A_37 = arith.muli %while3A_36, %while3A_35 : i32
    %while3A_38 = arith.addi %while3A, %while3A_37 : i32
    %while3A_39 = arith.constant 1 : i32
    %while3A_40 = scf.for %while3A_97 = %while3A to %while3A_38 step %while3A_39 iter_args(%while3A_98 = %while3A_32) -> (i32)  : i32 {
      %mul3A_99 = arith.constant 128 : i32
      %mul3A_100 = arith.muli %while3A_97, %mul3A_99 : i32
      %dma_start3A = tpu.memref_slice %arg6[%mul3A_100] : memref<25600xi32, #tpu.memory_space<vmem>> -> memref<128xi32, #tpu.memory_space<vmem>>
      %dma_start3A_101 = arith.constant 0 : i32
      %dma_start3A_102 = tpu.memref_slice %arg9[%dma_start3A_101] : memref<50176xf32, #tpu.memory_space<vmem_shared>> -> memref<50176xf32, #tpu.memory_space<vmem_shared>>
      tpu.enqueue_indirect_dma source(%arg7 : memref<128xf32, #tpu.memory_space<vmem>>) target(%dma_start3A_102 : memref<50176xf32, #tpu.memory_space<vmem_shared>>) offsets(%dma_start3A : memref<128xi32, #tpu.memory_space<vmem>>) semaphore(%arg11 : memref<!tpu.dma_semaphore, #tpu.memory_space<semaphore_mem>>) {add = true}
      %while3A_103 = arith.constant 0 : i32
      scf.yield %while3A_103 : i32
    }
    %while3A_41 = arith.constant 1 : i32
    %while3A_42 = scf.for %while3A_97 = %while3A_38 to %while3A_34 step %while3A_41 iter_args(%while3A_98 = %while3A_40) -> (i32)  : i32 {
      %mul3A_99 = arith.constant 128 : i32
      %mul3A_100 = arith.muli %while3A_97, %mul3A_99 : i32
      %dma_start3A = tpu.memref_slice %arg6[%mul3A_100] : memref<25600xi32, #tpu.memory_space<vmem>> -> memref<128xi32, #tpu.memory_space<vmem>>
      %dma_start3A_101 = arith.constant 0 : i32
      %dma_start3A_102 = tpu.memref_slice %arg9[%dma_start3A_101] : memref<50176xf32, #tpu.memory_space<vmem_shared>> -> memref<50176xf32, #tpu.memory_space<vmem_shared>>
      tpu.enqueue_indirect_dma source(%arg7 : memref<128xf32, #tpu.memory_space<vmem>>) target(%dma_start3A_102 : memref<50176xf32, #tpu.memory_space<vmem_shared>>) offsets(%dma_start3A : memref<128xi32, #tpu.memory_space<vmem>>) semaphore(%arg11 : memref<!tpu.dma_semaphore, #tpu.memory_space<semaphore_mem>>) {add = true}
      %while3A_103 = arith.constant 0 : i32
      scf.yield %while3A_103 : i32
    }
    %while3A_43 = arith.constant 0 : i32
    %while3A_44 = arith.constant 0 : i32
    %while3A_45 = arith.subi %select_n3A, %while3A_43 : i32
    %while3A_46 = arith.addi %while3A_43, %while3A_45 : i32
    %while3A_47 = arith.constant 1 : i32
    %while3A_48 = arith.divsi %while3A_45, %while3A_47 : i32
    %while3A_49 = arith.muli %while3A_48, %while3A_47 : i32
    %while3A_50 = arith.addi %while3A_43, %while3A_49 : i32
    %while3A_51 = arith.constant 1 : i32
    %while3A_52 = scf.for %while3A_97 = %while3A_43 to %while3A_50 step %while3A_51 iter_args(%while3A_98 = %while3A_44) -> (i32)  : i32 {
      %dma_wait3A = arith.constant 0 : i32
      %dma_wait3A_99 = tpu.memref_slice %arg6[%dma_wait3A] : memref<25600xi32, #tpu.memory_space<vmem>> -> memref<128xi32, #tpu.memory_space<vmem>>
      %dma_wait3A_100 = arith.constant 0 : i32
      %dma_wait3A_101 = tpu.memref_slice %arg9[%dma_wait3A_100] : memref<50176xf32, #tpu.memory_space<vmem_shared>> -> memref<50176xf32, #tpu.memory_space<vmem_shared>>
      tpu.wait_indirect_dma semaphore(%arg11 : memref<!tpu.dma_semaphore, #tpu.memory_space<semaphore_mem>>) src(%arg7 : memref<128xf32, #tpu.memory_space<vmem>>) dst(%dma_wait3A_101 : memref<50176xf32, #tpu.memory_space<vmem_shared>>)
      %while3A_102 = arith.constant 0 : i32
      scf.yield %while3A_102 : i32
    }
    %while3A_53 = arith.constant 1 : i32
    %while3A_54 = scf.for %while3A_97 = %while3A_50 to %while3A_46 step %while3A_53 iter_args(%while3A_98 = %while3A_52) -> (i32)  : i32 {
      %dma_wait3A = arith.constant 0 : i32
      %dma_wait3A_99 = tpu.memref_slice %arg6[%dma_wait3A] : memref<25600xi32, #tpu.memory_space<vmem>> -> memref<128xi32, #tpu.memory_space<vmem>>
      %dma_wait3A_100 = arith.constant 0 : i32
      %dma_wait3A_101 = tpu.memref_slice %arg9[%dma_wait3A_100] : memref<50176xf32, #tpu.memory_space<vmem_shared>> -> memref<50176xf32, #tpu.memory_space<vmem_shared>>
      tpu.wait_indirect_dma semaphore(%arg11 : memref<!tpu.dma_semaphore, #tpu.memory_space<semaphore_mem>>) src(%arg7 : memref<128xf32, #tpu.memory_space<vmem>>) dst(%dma_wait3A_101 : memref<50176xf32, #tpu.memory_space<vmem_shared>>)
      %while3A_102 = arith.constant 0 : i32
      scf.yield %while3A_102 : i32
    }
    %lt3A_55 = arith.constant 15 : i32
    %lt3A_56 = arith.cmpi slt, %arg1, %lt3A_55 : i32
    %jit3A_57 = arith.constant 24 : i32
    %jit3A_58 = arith.constant 32 : i32
    %select_n3A_59 = arith.select %lt3A_56, %jit3A_57, %jit3A_58 : i32
    %eq3A_60 = arith.constant 0 : i32
    %eq3A_61 = arith.cmpi eq, %arg0, %eq3A_60 : i32
    %lt3A_62 = arith.constant 15 : i32
    %lt3A_63 = arith.cmpi slt, %arg1, %lt3A_62 : i32
    %and3A_64 = arith.andi %eq3A_61, %lt3A_63 : i1
    %convert_element_type3A_65 = arith.extui %and3A_64 : i1 to i32
    %cond3A_66 = arith.constant 0 : i32
    %cond3A_67 = arith.cmpi ne, %convert_element_type3A_65, %cond3A_66 : i32
    scf.if %cond3A_67 {
      %mul3A_97 = arith.constant 24 : i32
      %mul3A_98 = arith.muli %arg1, %mul3A_97 : i32
      %mul3A_99 = arith.constant 128 : i32
      %mul3A_100 = arith.muli %mul3A_98, %mul3A_99 : i32
      "tpu.region"() ({
        %run_scoped3A = tpu.sem_alloc : memref<!tpu.dma_semaphore, #tpu.memory_space<semaphore_mem>>
        %dma_start3A = arith.constant 0 : i32
        %dma_start3A_101 = tpu.memref_slice %arg6[%dma_start3A] : memref<25600xi32, #tpu.memory_space<vmem>> -> memref<3072xi32, #tpu.memory_space<vmem>>
        %dma_start3A_102 = tpu.memref_slice %arg3[%mul3A_100] : memref<50176xi32, #tpu.memory_space<hbm>> -> memref<3072xi32, #tpu.memory_space<hbm>>
        %dma_start3A_103 = arith.constant 0 : i32
        %dma_start3A_104 = tpu.memref_slice %arg6[%dma_start3A_103] : memref<25600xi32, #tpu.memory_space<vmem>> -> memref<3072xi32, #tpu.memory_space<vmem>>
        %dma_start3A_105 = tpu.memref_slice %arg3[%mul3A_100] : memref<50176xi32, #tpu.memory_space<hbm>> -> memref<3072xi32, #tpu.memory_space<hbm>>
        tpu.enqueue_dma source(%dma_start3A_105 : memref<3072xi32, #tpu.memory_space<hbm>>) target(%dma_start3A_104 : memref<3072xi32, #tpu.memory_space<vmem>>) target_semaphore(%run_scoped3A : memref<!tpu.dma_semaphore, #tpu.memory_space<semaphore_mem>>)
        %dma_wait3A = arith.constant 0 : i32
        %dma_wait3A_106 = tpu.memref_slice %arg6[%dma_wait3A] : memref<25600xi32, #tpu.memory_space<vmem>> -> memref<3072xi32, #tpu.memory_space<vmem>>
        %dma_wait3A_107 = tpu.memref_slice %arg3[%mul3A_100] : memref<50176xi32, #tpu.memory_space<hbm>> -> memref<3072xi32, #tpu.memory_space<hbm>>
        %dma_wait3A_108 = arith.constant 0 : i32
        %dma_wait3A_109 = tpu.memref_slice %arg6[%dma_wait3A_108] : memref<25600xi32, #tpu.memory_space<vmem>> -> memref<3072xi32, #tpu.memory_space<vmem>>
        %dma_wait3A_110 = tpu.memref_slice %arg3[%mul3A_100] : memref<50176xi32, #tpu.memory_space<hbm>> -> memref<3072xi32, #tpu.memory_space<hbm>>
        tpu.wait_dma2 semaphore(%run_scoped3A : memref<!tpu.dma_semaphore, #tpu.memory_space<semaphore_mem>>) src(%dma_wait3A_110 : memref<3072xi32, #tpu.memory_space<hbm>>) dst(%dma_wait3A_109 : memref<3072xi32, #tpu.memory_space<vmem>>)
        tpu.yield
      }) : () -> ()
    } else {
    }
    %eq3A_68 = arith.constant 0 : i32
    %eq3A_69 = arith.cmpi eq, %arg0, %eq3A_68 : i32
    %eq3A_70 = arith.constant 15 : i32
    %eq3A_71 = arith.cmpi eq, %arg1, %eq3A_70 : i32
    %and3A_72 = arith.andi %eq3A_69, %eq3A_71 : i1
    %convert_element_type3A_73 = arith.extui %and3A_72 : i1 to i32
    %cond3A_74 = arith.constant 0 : i32
    %cond3A_75 = arith.cmpi ne, %convert_element_type3A_73, %cond3A_74 : i32
    scf.if %cond3A_75 {
      "tpu.region"() ({
        %run_scoped3A = tpu.sem_alloc : memref<!tpu.dma_semaphore, #tpu.memory_space<semaphore_mem>>
        %dma_start3A = arith.constant 0 : i32
        %dma_start3A_97 = tpu.memref_slice %arg6[%dma_start3A] : memref<25600xi32, #tpu.memory_space<vmem>> -> memref<4096xi32, #tpu.memory_space<vmem>>
        %dma_start3A_98 = arith.constant 46080 : i32
        %dma_start3A_99 = tpu.memref_slice %arg3[%dma_start3A_98] : memref<50176xi32, #tpu.memory_space<hbm>> -> memref<4096xi32, #tpu.memory_space<hbm>>
        %dma_start3A_100 = arith.constant 0 : i32
        %dma_start3A_101 = tpu.memref_slice %arg6[%dma_start3A_100] : memref<25600xi32, #tpu.memory_space<vmem>> -> memref<4096xi32, #tpu.memory_space<vmem>>
        %dma_start3A_102 = arith.constant 46080 : i32
        %dma_start3A_103 = tpu.memref_slice %arg3[%dma_start3A_102] : memref<50176xi32, #tpu.memory_space<hbm>> -> memref<4096xi32, #tpu.memory_space<hbm>>
        tpu.enqueue_dma source(%dma_start3A_103 : memref<4096xi32, #tpu.memory_space<hbm>>) target(%dma_start3A_101 : memref<4096xi32, #tpu.memory_space<vmem>>) target_semaphore(%run_scoped3A : memref<!tpu.dma_semaphore, #tpu.memory_space<semaphore_mem>>)
        %dma_wait3A = arith.constant 0 : i32
        %dma_wait3A_104 = tpu.memref_slice %arg6[%dma_wait3A] : memref<25600xi32, #tpu.memory_space<vmem>> -> memref<4096xi32, #tpu.memory_space<vmem>>
        %dma_wait3A_105 = arith.constant 46080 : i32
        %dma_wait3A_106 = tpu.memref_slice %arg3[%dma_wait3A_105] : memref<50176xi32, #tpu.memory_space<hbm>> -> memref<4096xi32, #tpu.memory_space<hbm>>
        %dma_wait3A_107 = arith.constant 0 : i32
        %dma_wait3A_108 = tpu.memref_slice %arg6[%dma_wait3A_107] : memref<25600xi32, #tpu.memory_space<vmem>> -> memref<4096xi32, #tpu.memory_space<vmem>>
        %dma_wait3A_109 = arith.constant 46080 : i32
        %dma_wait3A_110 = tpu.memref_slice %arg3[%dma_wait3A_109] : memref<50176xi32, #tpu.memory_space<hbm>> -> memref<4096xi32, #tpu.memory_space<hbm>>
        tpu.wait_dma2 semaphore(%run_scoped3A : memref<!tpu.dma_semaphore, #tpu.memory_space<semaphore_mem>>) src(%dma_wait3A_110 : memref<4096xi32, #tpu.memory_space<hbm>>) dst(%dma_wait3A_108 : memref<4096xi32, #tpu.memory_space<vmem>>)
        tpu.yield
      }) : () -> ()
    } else {
    }
    %eq3A_76 = arith.constant 0 : i32
    %eq3A_77 = arith.cmpi eq, %arg0, %eq3A_76 : i32
    %convert_element_type3A_78 = arith.extui %eq3A_77 : i1 to i32
    %cond3A_79 = arith.constant 0 : i32
    %cond3A_80 = arith.cmpi ne, %convert_element_type3A_78, %cond3A_79 : i32
    scf.if %cond3A_80 {
      %while3A_97 = arith.constant 0 : i32
      %while3A_98 = arith.constant 0 : i32
      %while3A_99 = arith.subi %select_n3A_59, %while3A_97 : i32
      %while3A_100 = arith.addi %while3A_97, %while3A_99 : i32
      %while3A_101 = arith.constant 1 : i32
      %while3A_102 = arith.divsi %while3A_99, %while3A_101 : i32
      %while3A_103 = arith.muli %while3A_102, %while3A_101 : i32
      %while3A_104 = arith.addi %while3A_97, %while3A_103 : i32
      %while3A_105 = arith.constant 1 : i32
      %while3A_106 = scf.for %while3A_121 = %while3A_97 to %while3A_104 step %while3A_105 iter_args(%while3A_122 = %while3A_98) -> (i32)  : i32 {
        %mul3A_123 = arith.constant 128 : i32
        %mul3A_124 = arith.muli %while3A_121, %mul3A_123 : i32
        %dma_start3A = tpu.memref_slice %arg6[%mul3A_124] : memref<25600xi32, #tpu.memory_space<vmem>> -> memref<128xi32, #tpu.memory_space<vmem>>
        %dma_start3A_125 = arith.constant 0 : i32
        %dma_start3A_126 = tpu.memref_slice %arg10[%dma_start3A_125] : memref<256xf32, #tpu.memory_space<vmem_shared>> -> memref<256xf32, #tpu.memory_space<vmem_shared>>
        tpu.enqueue_indirect_dma source(%arg7 : memref<128xf32, #tpu.memory_space<vmem>>) target(%dma_start3A_126 : memref<256xf32, #tpu.memory_space<vmem_shared>>) offsets(%dma_start3A : memref<128xi32, #tpu.memory_space<vmem>>) semaphore(%arg11 : memref<!tpu.dma_semaphore, #tpu.memory_space<semaphore_mem>>) {add = true}
        %while3A_127 = arith.constant 0 : i32
        scf.yield %while3A_127 : i32
      }
      %while3A_107 = arith.constant 1 : i32
      %while3A_108 = scf.for %while3A_121 = %while3A_104 to %while3A_100 step %while3A_107 iter_args(%while3A_122 = %while3A_106) -> (i32)  : i32 {
        %mul3A_123 = arith.constant 128 : i32
        %mul3A_124 = arith.muli %while3A_121, %mul3A_123 : i32
        %dma_start3A = tpu.memref_slice %arg6[%mul3A_124] : memref<25600xi32, #tpu.memory_space<vmem>> -> memref<128xi32, #tpu.memory_space<vmem>>
        %dma_start3A_125 = arith.constant 0 : i32
        %dma_start3A_126 = tpu.memref_slice %arg10[%dma_start3A_125] : memref<256xf32, #tpu.memory_space<vmem_shared>> -> memref<256xf32, #tpu.memory_space<vmem_shared>>
        tpu.enqueue_indirect_dma source(%arg7 : memref<128xf32, #tpu.memory_space<vmem>>) target(%dma_start3A_126 : memref<256xf32, #tpu.memory_space<vmem_shared>>) offsets(%dma_start3A : memref<128xi32, #tpu.memory_space<vmem>>) semaphore(%arg11 : memref<!tpu.dma_semaphore, #tpu.memory_space<semaphore_mem>>) {add = true}
        %while3A_127 = arith.constant 0 : i32
        scf.yield %while3A_127 : i32
      }
      %while3A_109 = arith.constant 0 : i32
      %while3A_110 = arith.constant 0 : i32
      %while3A_111 = arith.subi %select_n3A_59, %while3A_109 : i32
      %while3A_112 = arith.addi %while3A_109, %while3A_111 : i32
      %while3A_113 = arith.constant 1 : i32
      %while3A_114 = arith.divsi %while3A_111, %while3A_113 : i32
      %while3A_115 = arith.muli %while3A_114, %while3A_113 : i32
      %while3A_116 = arith.addi %while3A_109, %while3A_115 : i32
      %while3A_117 = arith.constant 1 : i32
      %while3A_118 = scf.for %while3A_121 = %while3A_109 to %while3A_116 step %while3A_117 iter_args(%while3A_122 = %while3A_110) -> (i32)  : i32 {
        %dma_wait3A = arith.constant 0 : i32
        %dma_wait3A_123 = tpu.memref_slice %arg6[%dma_wait3A] : memref<25600xi32, #tpu.memory_space<vmem>> -> memref<128xi32, #tpu.memory_space<vmem>>
        %dma_wait3A_124 = arith.constant 0 : i32
        %dma_wait3A_125 = tpu.memref_slice %arg10[%dma_wait3A_124] : memref<256xf32, #tpu.memory_space<vmem_shared>> -> memref<256xf32, #tpu.memory_space<vmem_shared>>
        tpu.wait_indirect_dma semaphore(%arg11 : memref<!tpu.dma_semaphore, #tpu.memory_space<semaphore_mem>>) src(%arg7 : memref<128xf32, #tpu.memory_space<vmem>>) dst(%dma_wait3A_125 : memref<256xf32, #tpu.memory_space<vmem_shared>>)
        %while3A_126 = arith.constant 0 : i32
        scf.yield %while3A_126 : i32
      }
      %while3A_119 = arith.constant 1 : i32
      %while3A_120 = scf.for %while3A_121 = %while3A_116 to %while3A_112 step %while3A_119 iter_args(%while3A_122 = %while3A_118) -> (i32)  : i32 {
        %dma_wait3A = arith.constant 0 : i32
        %dma_wait3A_123 = tpu.memref_slice %arg6[%dma_wait3A] : memref<25600xi32, #tpu.memory_space<vmem>> -> memref<128xi32, #tpu.memory_space<vmem>>
        %dma_wait3A_124 = arith.constant 0 : i32
        %dma_wait3A_125 = tpu.memref_slice %arg10[%dma_wait3A_124] : memref<256xf32, #tpu.memory_space<vmem_shared>> -> memref<256xf32, #tpu.memory_space<vmem_shared>>
        tpu.wait_indirect_dma semaphore(%arg11 : memref<!tpu.dma_semaphore, #tpu.memory_space<semaphore_mem>>) src(%arg7 : memref<128xf32, #tpu.memory_space<vmem>>) dst(%dma_wait3A_125 : memref<256xf32, #tpu.memory_space<vmem_shared>>)
        %while3A_126 = arith.constant 0 : i32
        scf.yield %while3A_126 : i32
      }
    } else {
    }
    %barrier3A_81 = arith.constant 0 : index
    tpu.barrier barrier_id(%barrier3A_81)
    %mul3A_82 = arith.constant 3136 : i32
    %mul3A_83 = arith.muli %arg1, %mul3A_82 : i32
    "tpu.region"() ({
      %run_scoped3A = tpu.sem_alloc : memref<!tpu.dma_semaphore, #tpu.memory_space<semaphore_mem>>
      %dma_start3A = tpu.memref_slice %arg9[%mul3A_83] : memref<50176xf32, #tpu.memory_space<vmem_shared>> -> memref<3136xf32, #tpu.memory_space<vmem_shared>>
      %dma_start3A_97 = tpu.memref_slice %arg9[%mul3A_83] : memref<50176xf32, #tpu.memory_space<vmem_shared>> -> memref<3136xf32, #tpu.memory_space<vmem_shared>>
      tpu.enqueue_dma source(%dma_start3A_97 : memref<3136xf32, #tpu.memory_space<vmem_shared>>) target(%arg8 : memref<3136xf32, #tpu.memory_space<vmem>>) target_semaphore(%run_scoped3A : memref<!tpu.dma_semaphore, #tpu.memory_space<semaphore_mem>>)
      %dma_wait3A = tpu.memref_slice %arg9[%mul3A_83] : memref<50176xf32, #tpu.memory_space<vmem_shared>> -> memref<3136xf32, #tpu.memory_space<vmem_shared>>
      %dma_wait3A_98 = tpu.memref_slice %arg9[%mul3A_83] : memref<50176xf32, #tpu.memory_space<vmem_shared>> -> memref<3136xf32, #tpu.memory_space<vmem_shared>>
      tpu.wait_dma2 semaphore(%run_scoped3A : memref<!tpu.dma_semaphore, #tpu.memory_space<semaphore_mem>>) src(%dma_wait3A_98 : memref<3136xf32, #tpu.memory_space<vmem_shared>>) dst(%arg8 : memref<3136xf32, #tpu.memory_space<vmem>>)
      tpu.yield
    }) : () -> ()
    %mul3A_84 = arith.constant 50176 : i32
    %mul3A_85 = arith.muli %arg0, %mul3A_84 : i32
    %mul3A_86 = arith.constant 3136 : i32
    %mul3A_87 = arith.muli %arg1, %mul3A_86 : i32
    %add3A_88 = arith.addi %mul3A_85, %mul3A_87 : i32
    "tpu.region"() ({
      %run_scoped3A = tpu.sem_alloc : memref<!tpu.dma_semaphore, #tpu.memory_space<semaphore_mem>>
      %dma_start3A = tpu.memref_slice %arg4[%add3A_88] : memref<100352xf32, #tpu.memory_space<hbm>> -> memref<3136xf32, #tpu.memory_space<hbm>>
      %dma_start3A_97 = tpu.memref_slice %arg4[%add3A_88] : memref<100352xf32, #tpu.memory_space<hbm>> -> memref<3136xf32, #tpu.memory_space<hbm>>
      tpu.enqueue_dma source(%arg8 : memref<3136xf32, #tpu.memory_space<vmem>>) target(%dma_start3A_97 : memref<3136xf32, #tpu.memory_space<hbm>>) target_semaphore(%run_scoped3A : memref<!tpu.dma_semaphore, #tpu.memory_space<semaphore_mem>>)
      %dma_wait3A = tpu.memref_slice %arg4[%add3A_88] : memref<100352xf32, #tpu.memory_space<hbm>> -> memref<3136xf32, #tpu.memory_space<hbm>>
      %dma_wait3A_98 = tpu.memref_slice %arg4[%add3A_88] : memref<100352xf32, #tpu.memory_space<hbm>> -> memref<3136xf32, #tpu.memory_space<hbm>>
      tpu.wait_dma2 semaphore(%run_scoped3A : memref<!tpu.dma_semaphore, #tpu.memory_space<semaphore_mem>>) src(%arg8 : memref<3136xf32, #tpu.memory_space<vmem>>) dst(%dma_wait3A_98 : memref<3136xf32, #tpu.memory_space<hbm>>)
      tpu.yield
    }) : () -> ()
    %eq3A_89 = arith.constant 0 : i32
    %eq3A_90 = arith.cmpi eq, %arg0, %eq3A_89 : i32
    %eq3A_91 = arith.constant 0 : i32
    %eq3A_92 = arith.cmpi eq, %arg1, %eq3A_91 : i32
    %and3A_93 = arith.andi %eq3A_90, %eq3A_92 : i1
    %convert_element_type3A_94 = arith.extui %and3A_93 : i1 to i32
    %cond3A_95 = arith.constant 0 : i32
    %cond3A_96 = arith.cmpi ne, %convert_element_type3A_94, %cond3A_95 : i32
    scf.if %cond3A_96 {
      "tpu.region"() ({
        %run_scoped3A = tpu.sem_alloc : memref<!tpu.dma_semaphore, #tpu.memory_space<semaphore_mem>>
        %dma_start3A = arith.constant 0 : i32
        %dma_start3A_97 = tpu.memref_slice %arg8[%dma_start3A] : memref<3136xf32, #tpu.memory_space<vmem>> -> memref<256xf32, #tpu.memory_space<vmem>>
        %dma_start3A_98 = arith.constant 0 : i32
        %dma_start3A_99 = tpu.memref_slice %arg8[%dma_start3A_98] : memref<3136xf32, #tpu.memory_space<vmem>> -> memref<256xf32, #tpu.memory_space<vmem>>
        tpu.enqueue_dma source(%arg10 : memref<256xf32, #tpu.memory_space<vmem_shared>>) target(%dma_start3A_99 : memref<256xf32, #tpu.memory_space<vmem>>) target_semaphore(%run_scoped3A : memref<!tpu.dma_semaphore, #tpu.memory_space<semaphore_mem>>)
        %dma_wait3A = arith.constant 0 : i32
        %dma_wait3A_100 = tpu.memref_slice %arg8[%dma_wait3A] : memref<3136xf32, #tpu.memory_space<vmem>> -> memref<256xf32, #tpu.memory_space<vmem>>
        %dma_wait3A_101 = arith.constant 0 : i32
        %dma_wait3A_102 = tpu.memref_slice %arg8[%dma_wait3A_101] : memref<3136xf32, #tpu.memory_space<vmem>> -> memref<256xf32, #tpu.memory_space<vmem>>
        tpu.wait_dma2 semaphore(%run_scoped3A : memref<!tpu.dma_semaphore, #tpu.memory_space<semaphore_mem>>) src(%arg10 : memref<256xf32, #tpu.memory_space<vmem_shared>>) dst(%dma_wait3A_102 : memref<256xf32, #tpu.memory_space<vmem>>)
        tpu.yield
      }) : () -> ()
      "tpu.region"() ({
        %run_scoped3A = tpu.sem_alloc : memref<!tpu.dma_semaphore, #tpu.memory_space<semaphore_mem>>
        %dma_start3A = arith.constant 0 : i32
        %dma_start3A_97 = tpu.memref_slice %arg8[%dma_start3A] : memref<3136xf32, #tpu.memory_space<vmem>> -> memref<256xf32, #tpu.memory_space<vmem>>
        %dma_start3A_98 = arith.constant 0 : i32
        %dma_start3A_99 = tpu.memref_slice %arg8[%dma_start3A_98] : memref<3136xf32, #tpu.memory_space<vmem>> -> memref<256xf32, #tpu.memory_space<vmem>>
        tpu.enqueue_dma source(%dma_start3A_99 : memref<256xf32, #tpu.memory_space<vmem>>) target(%arg5 : memref<256xf32, #tpu.memory_space<hbm>>) target_semaphore(%run_scoped3A : memref<!tpu.dma_semaphore, #tpu.memory_space<semaphore_mem>>)
        %dma_wait3A = arith.constant 0 : i32
        %dma_wait3A_100 = tpu.memref_slice %arg8[%dma_wait3A] : memref<3136xf32, #tpu.memory_space<vmem>> -> memref<256xf32, #tpu.memory_space<vmem>>
        %dma_wait3A_101 = arith.constant 0 : i32
        %dma_wait3A_102 = tpu.memref_slice %arg8[%dma_wait3A_101] : memref<3136xf32, #tpu.memory_space<vmem>> -> memref<256xf32, #tpu.memory_space<vmem>>
        tpu.wait_dma2 semaphore(%run_scoped3A : memref<!tpu.dma_semaphore, #tpu.memory_space<semaphore_mem>>) src(%dma_wait3A_102 : memref<256xf32, #tpu.memory_space<vmem>>) dst(%arg5 : memref<256xf32, #tpu.memory_space<hbm>>)
        tpu.yield
      }) : () -> ()
    } else {
    }
    return
  }
}

#map = affine_map<(d0, d1) -> (0, 0)>
#map1 = affine_map<(d0, d1) -> (0)>
module attributes {stable_mosaic.version = 14 : i64} {
  func.func @_gs_kernel(%arg0: i32, %arg1: i32, %arg2: memref<2x800000xi32, #tpu.memory_space<hbm>>, %arg3: memref<100352xf32, #tpu.memory_space<hbm>>, %arg4: memref<50176xf32, #tpu.memory_space<hbm>>, %arg5: memref<100352xf32, #tpu.memory_space<hbm>>, %arg6: memref<25600xi32, #tpu.memory_space<vmem>>, %arg7: memref<25600xi32, #tpu.memory_space<vmem>>, %arg8: memref<25600xf32, #tpu.memory_space<vmem>>, %arg9: memref<50176xf32, #tpu.memory_space<vmem_shared>>, %arg10: memref<50176xf32, #tpu.memory_space<vmem_shared>>, %arg11: memref<!tpu.dma_semaphore, #tpu.memory_space<semaphore_mem>>, %arg12: memref<!tpu.dma_semaphore, #tpu.memory_space<semaphore_mem>>) attributes {dimension_semantics = [#tpu.dimension_semantics<core_parallel>, #tpu.dimension_semantics<subcore_parallel>], iteration_bounds = array<i64: 2, 16>, scalar_prefetch = 0 : i64, scratch_operands = 7 : i64, tpu.core_type = #tpu.core_type<sc_vector_subcore>, window_params = [{transform_indices = #map}, {transform_indices = #map1}, {transform_indices = #map1}, {transform_indices = #map1}]} {
    %mul3A = arith.constant 16 : i32
    %mul3A_0 = arith.muli %arg0, %mul3A : i32
    %add3A = arith.addi %mul3A_0, %arg1 : i32
    %scan3A = arith.constant 0 : i32
    %scan3A_1 = arith.constant 0 : i32
    %scan3A_2 = arith.constant 196 : i32
    %scan3A_3 = arith.addi %scan3A_1, %scan3A_2 : i32
    %scan3A_4 = arith.constant 1 : i32
    %scan3A_5 = scf.for %scan3A_88 = %scan3A_1 to %scan3A_3 step %scan3A_4 iter_args(%scan3A_89 = %scan3A) -> (i32)  : i32 {
      %broadcast_in_dim3A = arith.constant 0.000000e+00 : f32
      %broadcast_in_dim3A_90 = vector.broadcast %broadcast_in_dim3A : f32 to vector<16xf32>
      %mul3A_91 = arith.constant 16 : i32
      %mul3A_92 = arith.muli %scan3A_88, %mul3A_91 : i32
      %swap3A = arith.index_cast %mul3A_92 : i32 to index
      %swap3A_93 = tpu.vector_load %arg8[%swap3A] {strides = array<i32>} : memref<25600xf32, #tpu.memory_space<vmem>>, vector<16xf32>,
      tpu.vector_store %arg8[%swap3A], %broadcast_in_dim3A_90 {strides = array<i32>} : memref<25600xf32, #tpu.memory_space<vmem>>, vector<16xf32>,
      %scan3A_94 = arith.constant 0 : i32
      scf.yield %scan3A_94 : i32
    }
    %scan3A_6 = arith.constant 196 : i32
    %mul3A_7 = arith.constant 3136 : i32
    %mul3A_8 = arith.muli %arg1, %mul3A_7 : i32
    "tpu.region"() ({
      %run_scoped3A = tpu.sem_alloc : memref<!tpu.dma_semaphore, #tpu.memory_space<semaphore_mem>>
      %dma_start3A = arith.constant 0 : i32
      %dma_start3A_88 = tpu.memref_slice %arg8[%dma_start3A] : memref<25600xf32, #tpu.memory_space<vmem>> -> memref<3136xf32, #tpu.memory_space<vmem>>
      %dma_start3A_89 = tpu.memref_slice %arg10[%mul3A_8] : memref<50176xf32, #tpu.memory_space<vmem_shared>> -> memref<3136xf32, #tpu.memory_space<vmem_shared>>
      %dma_start3A_90 = tpu.memref_slice %arg10[%mul3A_8] : memref<50176xf32, #tpu.memory_space<vmem_shared>> -> memref<3136xf32, #tpu.memory_space<vmem_shared>>
      %dma_start3A_91 = arith.constant 0 : i32
      %dma_start3A_92 = tpu.memref_slice %arg8[%dma_start3A_91] : memref<25600xf32, #tpu.memory_space<vmem>> -> memref<3136xf32, #tpu.memory_space<vmem>>
      tpu.enqueue_dma source(%dma_start3A_92 : memref<3136xf32, #tpu.memory_space<vmem>>) target(%dma_start3A_90 : memref<3136xf32, #tpu.memory_space<vmem_shared>>) target_semaphore(%run_scoped3A : memref<!tpu.dma_semaphore, #tpu.memory_space<semaphore_mem>>)
      %dma_wait3A = arith.constant 0 : i32
      %dma_wait3A_93 = tpu.memref_slice %arg8[%dma_wait3A] : memref<25600xf32, #tpu.memory_space<vmem>> -> memref<3136xf32, #tpu.memory_space<vmem>>
      %dma_wait3A_94 = tpu.memref_slice %arg10[%mul3A_8] : memref<50176xf32, #tpu.memory_space<vmem_shared>> -> memref<3136xf32, #tpu.memory_space<vmem_shared>>
      %dma_wait3A_95 = tpu.memref_slice %arg10[%mul3A_8] : memref<50176xf32, #tpu.memory_space<vmem_shared>> -> memref<3136xf32, #tpu.memory_space<vmem_shared>>
      %dma_wait3A_96 = arith.constant 0 : i32
      %dma_wait3A_97 = tpu.memref_slice %arg8[%dma_wait3A_96] : memref<25600xf32, #tpu.memory_space<vmem>> -> memref<3136xf32, #tpu.memory_space<vmem>>
      tpu.wait_dma2 semaphore(%run_scoped3A : memref<!tpu.dma_semaphore, #tpu.memory_space<semaphore_mem>>) src(%dma_wait3A_97 : memref<3136xf32, #tpu.memory_space<vmem>>) dst(%dma_wait3A_95 : memref<3136xf32, #tpu.memory_space<vmem_shared>>)
      tpu.yield
    }) : () -> ()
    %mul3A_9 = arith.constant 3136 : i32
    %mul3A_10 = arith.muli %arg1, %mul3A_9 : i32
    "tpu.region"() ({
      %run_scoped3A = tpu.sem_alloc : memref<!tpu.dma_semaphore, #tpu.memory_space<semaphore_mem>>
      %dma_start3A = arith.constant 0 : i32
      %dma_start3A_88 = tpu.memref_slice %arg8[%dma_start3A] : memref<25600xf32, #tpu.memory_space<vmem>> -> memref<3136xf32, #tpu.memory_space<vmem>>
      %dma_start3A_89 = tpu.memref_slice %arg3[%mul3A_10] : memref<100352xf32, #tpu.memory_space<hbm>> -> memref<3136xf32, #tpu.memory_space<hbm>>
      %dma_start3A_90 = arith.constant 0 : i32
      %dma_start3A_91 = tpu.memref_slice %arg8[%dma_start3A_90] : memref<25600xf32, #tpu.memory_space<vmem>> -> memref<3136xf32, #tpu.memory_space<vmem>>
      %dma_start3A_92 = tpu.memref_slice %arg3[%mul3A_10] : memref<100352xf32, #tpu.memory_space<hbm>> -> memref<3136xf32, #tpu.memory_space<hbm>>
      tpu.enqueue_dma source(%dma_start3A_92 : memref<3136xf32, #tpu.memory_space<hbm>>) target(%dma_start3A_91 : memref<3136xf32, #tpu.memory_space<vmem>>) target_semaphore(%run_scoped3A : memref<!tpu.dma_semaphore, #tpu.memory_space<semaphore_mem>>)
      %dma_wait3A = arith.constant 0 : i32
      %dma_wait3A_93 = tpu.memref_slice %arg8[%dma_wait3A] : memref<25600xf32, #tpu.memory_space<vmem>> -> memref<3136xf32, #tpu.memory_space<vmem>>
      %dma_wait3A_94 = tpu.memref_slice %arg3[%mul3A_10] : memref<100352xf32, #tpu.memory_space<hbm>> -> memref<3136xf32, #tpu.memory_space<hbm>>
      %dma_wait3A_95 = arith.constant 0 : i32
      %dma_wait3A_96 = tpu.memref_slice %arg8[%dma_wait3A_95] : memref<25600xf32, #tpu.memory_space<vmem>> -> memref<3136xf32, #tpu.memory_space<vmem>>
      %dma_wait3A_97 = tpu.memref_slice %arg3[%mul3A_10] : memref<100352xf32, #tpu.memory_space<hbm>> -> memref<3136xf32, #tpu.memory_space<hbm>>
      tpu.wait_dma2 semaphore(%run_scoped3A : memref<!tpu.dma_semaphore, #tpu.memory_space<semaphore_mem>>) src(%dma_wait3A_97 : memref<3136xf32, #tpu.memory_space<hbm>>) dst(%dma_wait3A_96 : memref<3136xf32, #tpu.memory_space<vmem>>)
      tpu.yield
    }) : () -> ()
    %mul3A_11 = arith.constant 3136 : i32
    %mul3A_12 = arith.muli %arg1, %mul3A_11 : i32
    %add3A_13 = arith.constant 50176 : i32
    %add3A_14 = arith.addi %add3A_13, %mul3A_12 : i32
    "tpu.region"() ({
      %run_scoped3A = tpu.sem_alloc : memref<!tpu.dma_semaphore, #tpu.memory_space<semaphore_mem>>
      %dma_start3A = arith.constant 3136 : i32
      %dma_start3A_88 = tpu.memref_slice %arg8[%dma_start3A] : memref<25600xf32, #tpu.memory_space<vmem>> -> memref<3136xf32, #tpu.memory_space<vmem>>
      %dma_start3A_89 = tpu.memref_slice %arg3[%add3A_14] : memref<100352xf32, #tpu.memory_space<hbm>> -> memref<3136xf32, #tpu.memory_space<hbm>>
      %dma_start3A_90 = arith.constant 3136 : i32
      %dma_start3A_91 = tpu.memref_slice %arg8[%dma_start3A_90] : memref<25600xf32, #tpu.memory_space<vmem>> -> memref<3136xf32, #tpu.memory_space<vmem>>
      %dma_start3A_92 = tpu.memref_slice %arg3[%add3A_14] : memref<100352xf32, #tpu.memory_space<hbm>> -> memref<3136xf32, #tpu.memory_space<hbm>>
      tpu.enqueue_dma source(%dma_start3A_92 : memref<3136xf32, #tpu.memory_space<hbm>>) target(%dma_start3A_91 : memref<3136xf32, #tpu.memory_space<vmem>>) target_semaphore(%run_scoped3A : memref<!tpu.dma_semaphore, #tpu.memory_space<semaphore_mem>>)
      %dma_wait3A = arith.constant 3136 : i32
      %dma_wait3A_93 = tpu.memref_slice %arg8[%dma_wait3A] : memref<25600xf32, #tpu.memory_space<vmem>> -> memref<3136xf32, #tpu.memory_space<vmem>>
      %dma_wait3A_94 = tpu.memref_slice %arg3[%add3A_14] : memref<100352xf32, #tpu.memory_space<hbm>> -> memref<3136xf32, #tpu.memory_space<hbm>>
      %dma_wait3A_95 = arith.constant 3136 : i32
      %dma_wait3A_96 = tpu.memref_slice %arg8[%dma_wait3A_95] : memref<25600xf32, #tpu.memory_space<vmem>> -> memref<3136xf32, #tpu.memory_space<vmem>>
      %dma_wait3A_97 = tpu.memref_slice %arg3[%add3A_14] : memref<100352xf32, #tpu.memory_space<hbm>> -> memref<3136xf32, #tpu.memory_space<hbm>>
      tpu.wait_dma2 semaphore(%run_scoped3A : memref<!tpu.dma_semaphore, #tpu.memory_space<semaphore_mem>>) src(%dma_wait3A_97 : memref<3136xf32, #tpu.memory_space<hbm>>) dst(%dma_wait3A_96 : memref<3136xf32, #tpu.memory_space<vmem>>)
      tpu.yield
    }) : () -> ()
    %mul3A_15 = arith.constant 3136 : i32
    %mul3A_16 = arith.muli %arg1, %mul3A_15 : i32
    "tpu.region"() ({
      %run_scoped3A = tpu.sem_alloc : memref<!tpu.dma_semaphore, #tpu.memory_space<semaphore_mem>>
      %dma_start3A = arith.constant 6272 : i32
      %dma_start3A_88 = tpu.memref_slice %arg8[%dma_start3A] : memref<25600xf32, #tpu.memory_space<vmem>> -> memref<3136xf32, #tpu.memory_space<vmem>>
      %dma_start3A_89 = tpu.memref_slice %arg4[%mul3A_16] : memref<50176xf32, #tpu.memory_space<hbm>> -> memref<3136xf32, #tpu.memory_space<hbm>>
      %dma_start3A_90 = arith.constant 6272 : i32
      %dma_start3A_91 = tpu.memref_slice %arg8[%dma_start3A_90] : memref<25600xf32, #tpu.memory_space<vmem>> -> memref<3136xf32, #tpu.memory_space<vmem>>
      %dma_start3A_92 = tpu.memref_slice %arg4[%mul3A_16] : memref<50176xf32, #tpu.memory_space<hbm>> -> memref<3136xf32, #tpu.memory_space<hbm>>
      tpu.enqueue_dma source(%dma_start3A_92 : memref<3136xf32, #tpu.memory_space<hbm>>) target(%dma_start3A_91 : memref<3136xf32, #tpu.memory_space<vmem>>) target_semaphore(%run_scoped3A : memref<!tpu.dma_semaphore, #tpu.memory_space<semaphore_mem>>)
      %dma_wait3A = arith.constant 6272 : i32
      %dma_wait3A_93 = tpu.memref_slice %arg8[%dma_wait3A] : memref<25600xf32, #tpu.memory_space<vmem>> -> memref<3136xf32, #tpu.memory_space<vmem>>
      %dma_wait3A_94 = tpu.memref_slice %arg4[%mul3A_16] : memref<50176xf32, #tpu.memory_space<hbm>> -> memref<3136xf32, #tpu.memory_space<hbm>>
      %dma_wait3A_95 = arith.constant 6272 : i32
      %dma_wait3A_96 = tpu.memref_slice %arg8[%dma_wait3A_95] : memref<25600xf32, #tpu.memory_space<vmem>> -> memref<3136xf32, #tpu.memory_space<vmem>>
      %dma_wait3A_97 = tpu.memref_slice %arg4[%mul3A_16] : memref<50176xf32, #tpu.memory_space<hbm>> -> memref<3136xf32, #tpu.memory_space<hbm>>
      tpu.wait_dma2 semaphore(%run_scoped3A : memref<!tpu.dma_semaphore, #tpu.memory_space<semaphore_mem>>) src(%dma_wait3A_97 : memref<3136xf32, #tpu.memory_space<hbm>>) dst(%dma_wait3A_96 : memref<3136xf32, #tpu.memory_space<vmem>>)
      tpu.yield
    }) : () -> ()
    %scan3A_17 = arith.constant 0 : i32
    %scan3A_18 = arith.constant 0 : i32
    %scan3A_19 = arith.constant 196 : i32
    %scan3A_20 = arith.addi %scan3A_18, %scan3A_19 : i32
    %scan3A_21 = arith.constant 1 : i32
    %scan3A_22 = scf.for %scan3A_88 = %scan3A_18 to %scan3A_20 step %scan3A_21 iter_args(%scan3A_89 = %scan3A_17) -> (i32)  : i32 {
      %mul3A_90 = arith.constant 16 : i32
      %mul3A_91 = arith.muli %scan3A_88, %mul3A_90 : i32
      %get3A = arith.index_cast %mul3A_91 : i32 to index
      %get3A_92 = tpu.vector_load %arg8[%get3A] {strides = array<i32>} : memref<25600xf32, #tpu.memory_space<vmem>>, vector<16xf32>,
      %mul3A_93 = arith.constant 16 : i32
      %mul3A_94 = arith.muli %scan3A_88, %mul3A_93 : i32
      %add3A_95 = arith.constant 3136 : i32
      %add3A_96 = arith.addi %add3A_95, %mul3A_94 : i32
      %get3A_97 = arith.index_cast %add3A_96 : i32 to index
      %get3A_98 = tpu.vector_load %arg8[%get3A_97] {strides = array<i32>} : memref<25600xf32, #tpu.memory_space<vmem>>, vector<16xf32>,
      %add3A_99 = arith.addf %get3A_92, %get3A_98 : vector<16xf32>
      %add3A_100 = arith.constant 1.000000e+00 : f32
      %add3A_101 = vector.broadcast %add3A_100 : f32 to vector<16xf32>
      %add3A_102 = arith.addf %add3A_99, %add3A_101 : vector<16xf32>
      %bitcast3A = vector.bitcast %add3A_102 : vector<16xf32> to vector<16xi32>
      %shift_right_logical3A = arith.constant 1 : i32
      %shift_right_logical3A_103 = vector.broadcast %shift_right_logical3A : i32 to vector<16xi32>
      %shift_right_logical3A_104 = arith.shrui %bitcast3A, %shift_right_logical3A_103 : vector<16xi32>
      %sub3A = arith.constant 1597463007 : i32
      %sub3A_105 = vector.broadcast %sub3A : i32 to vector<16xi32>
      %sub3A_106 = arith.subi %sub3A_105, %shift_right_logical3A_104 : vector<16xi32>
      %bitcast3A_107 = vector.bitcast %sub3A_106 : vector<16xi32> to vector<16xf32>
      %mul3A_108 = arith.constant 5.000000e-01 : f32
      %mul3A_109 = vector.broadcast %mul3A_108 : f32 to vector<16xf32>
      %mul3A_110 = arith.mulf %mul3A_109, %add3A_102 : vector<16xf32>
      %mul3A_111 = arith.mulf %mul3A_110, %bitcast3A_107 : vector<16xf32>
      %mul3A_112 = arith.mulf %mul3A_111, %bitcast3A_107 : vector<16xf32>
      %sub3A_113 = arith.constant 1.500000e+00 : f32
      %sub3A_114 = vector.broadcast %sub3A_113 : f32 to vector<16xf32>
      %sub3A_115 = arith.subf %sub3A_114, %mul3A_112 : vector<16xf32>
      %mul3A_116 = arith.mulf %bitcast3A_107, %sub3A_115 : vector<16xf32>
      %mul3A_117 = arith.constant 5.000000e-01 : f32
      %mul3A_118 = vector.broadcast %mul3A_117 : f32 to vector<16xf32>
      %mul3A_119 = arith.mulf %mul3A_118, %add3A_102 : vector<16xf32>
      %mul3A_120 = arith.mulf %mul3A_119, %mul3A_116 : vector<16xf32>
      %mul3A_121 = arith.mulf %mul3A_120, %mul3A_116 : vector<16xf32>
      %sub3A_122 = arith.constant 1.500000e+00 : f32
      %sub3A_123 = vector.broadcast %sub3A_122 : f32 to vector<16xf32>
      %sub3A_124 = arith.subf %sub3A_123, %mul3A_121 : vector<16xf32>
      %mul3A_125 = arith.mulf %mul3A_116, %sub3A_124 : vector<16xf32>
      %mul3A_126 = arith.constant 5.000000e-01 : f32
      %mul3A_127 = vector.broadcast %mul3A_126 : f32 to vector<16xf32>
      %mul3A_128 = arith.mulf %mul3A_127, %add3A_102 : vector<16xf32>
      %mul3A_129 = arith.mulf %mul3A_128, %mul3A_125 : vector<16xf32>
      %mul3A_130 = arith.mulf %mul3A_129, %mul3A_125 : vector<16xf32>
      %sub3A_131 = arith.constant 1.500000e+00 : f32
      %sub3A_132 = vector.broadcast %sub3A_131 : f32 to vector<16xf32>
      %sub3A_133 = arith.subf %sub3A_132, %mul3A_130 : vector<16xf32>
      %mul3A_134 = arith.mulf %mul3A_125, %sub3A_133 : vector<16xf32>
      %mul3A_135 = arith.constant 16 : i32
      %mul3A_136 = arith.muli %scan3A_88, %mul3A_135 : i32
      %add3A_137 = arith.constant 6272 : i32
      %add3A_138 = arith.addi %add3A_137, %mul3A_136 : i32
      %get3A_139 = arith.index_cast %add3A_138 : i32 to index
      %get3A_140 = tpu.vector_load %arg8[%get3A_139] {strides = array<i32>} : memref<25600xf32, #tpu.memory_space<vmem>>, vector<16xf32>,
      %mul3A_141 = arith.mulf %get3A_140, %mul3A_134 : vector<16xf32>
      %mul3A_142 = arith.constant 16 : i32
      %mul3A_143 = arith.muli %scan3A_88, %mul3A_142 : i32
      %add3A_144 = arith.constant 9408 : i32
      %add3A_145 = arith.addi %add3A_144, %mul3A_143 : i32
      %swap3A = arith.index_cast %add3A_145 : i32 to index
      %swap3A_146 = tpu.vector_load %arg8[%swap3A] {strides = array<i32>} : memref<25600xf32, #tpu.memory_space<vmem>>, vector<16xf32>,
      tpu.vector_store %arg8[%swap3A], %mul3A_141 {strides = array<i32>} : memref<25600xf32, #tpu.memory_space<vmem>>, vector<16xf32>,
      %scan3A_147 = arith.constant 0 : i32
      scf.yield %scan3A_147 : i32
    }
    %scan3A_23 = arith.constant 196 : i32
    %mul3A_24 = arith.constant 3136 : i32
    %mul3A_25 = arith.muli %arg1, %mul3A_24 : i32
    "tpu.region"() ({
      %run_scoped3A = tpu.sem_alloc : memref<!tpu.dma_semaphore, #tpu.memory_space<semaphore_mem>>
      %dma_start3A = arith.constant 9408 : i32
      %dma_start3A_88 = tpu.memref_slice %arg8[%dma_start3A] : memref<25600xf32, #tpu.memory_space<vmem>> -> memref<3136xf32, #tpu.memory_space<vmem>>
      %dma_start3A_89 = tpu.memref_slice %arg9[%mul3A_25] : memref<50176xf32, #tpu.memory_space<vmem_shared>> -> memref<3136xf32, #tpu.memory_space<vmem_shared>>
      %dma_start3A_90 = tpu.memref_slice %arg9[%mul3A_25] : memref<50176xf32, #tpu.memory_space<vmem_shared>> -> memref<3136xf32, #tpu.memory_space<vmem_shared>>
      %dma_start3A_91 = arith.constant 9408 : i32
      %dma_start3A_92 = tpu.memref_slice %arg8[%dma_start3A_91] : memref<25600xf32, #tpu.memory_space<vmem>> -> memref<3136xf32, #tpu.memory_space<vmem>>
      tpu.enqueue_dma source(%dma_start3A_92 : memref<3136xf32, #tpu.memory_space<vmem>>) target(%dma_start3A_90 : memref<3136xf32, #tpu.memory_space<vmem_shared>>) target_semaphore(%run_scoped3A : memref<!tpu.dma_semaphore, #tpu.memory_space<semaphore_mem>>)
      %dma_wait3A = arith.constant 9408 : i32
      %dma_wait3A_93 = tpu.memref_slice %arg8[%dma_wait3A] : memref<25600xf32, #tpu.memory_space<vmem>> -> memref<3136xf32, #tpu.memory_space<vmem>>
      %dma_wait3A_94 = tpu.memref_slice %arg9[%mul3A_25] : memref<50176xf32, #tpu.memory_space<vmem_shared>> -> memref<3136xf32, #tpu.memory_space<vmem_shared>>
      %dma_wait3A_95 = tpu.memref_slice %arg9[%mul3A_25] : memref<50176xf32, #tpu.memory_space<vmem_shared>> -> memref<3136xf32, #tpu.memory_space<vmem_shared>>
      %dma_wait3A_96 = arith.constant 9408 : i32
      %dma_wait3A_97 = tpu.memref_slice %arg8[%dma_wait3A_96] : memref<25600xf32, #tpu.memory_space<vmem>> -> memref<3136xf32, #tpu.memory_space<vmem>>
      tpu.wait_dma2 semaphore(%run_scoped3A : memref<!tpu.dma_semaphore, #tpu.memory_space<semaphore_mem>>) src(%dma_wait3A_97 : memref<3136xf32, #tpu.memory_space<vmem>>) dst(%dma_wait3A_95 : memref<3136xf32, #tpu.memory_space<vmem_shared>>)
      tpu.yield
    }) : () -> ()
    %barrier3A = arith.constant 0 : index
    tpu.barrier barrier_id(%barrier3A)
    %lt3A = arith.constant 31 : i32
    %lt3A_26 = arith.cmpi slt, %add3A, %lt3A : i32
    %convert_element_type3A = arith.extui %lt3A_26 : i1 to i32
    %cond3A = arith.constant 0 : i32
    %cond3A_27 = arith.cmpi ne, %convert_element_type3A, %cond3A : i32
    scf.if %cond3A_27 {
      %mul3A_88 = arith.constant 25600 : i32
      %mul3A_89 = arith.muli %add3A, %mul3A_88 : i32
      %run_scoped3A = arith.constant 0 : i32
      "tpu.region"() ({
        %run_scoped3A_90 = tpu.sem_alloc : memref<!tpu.dma_semaphore, #tpu.memory_space<semaphore_mem>>
        %dma_start3A = tpu.memref_slice %arg2[%run_scoped3A, %mul3A_89] : memref<2x800000xi32, #tpu.memory_space<hbm>> -> memref<1x25600xi32, #tpu.memory_space<hbm>>
        %dma_start3A_91 = tpu.memref_squeeze %dma_start3A : memref<1x25600xi32, #tpu.memory_space<hbm>> -> memref<25600xi32, #tpu.memory_space<hbm>>
        %dma_start3A_92 = tpu.memref_slice %arg2[%run_scoped3A, %mul3A_89] : memref<2x800000xi32, #tpu.memory_space<hbm>> -> memref<1x25600xi32, #tpu.memory_space<hbm>>
        %dma_start3A_93 = tpu.memref_squeeze %dma_start3A_92 : memref<1x25600xi32, #tpu.memory_space<hbm>> -> memref<25600xi32, #tpu.memory_space<hbm>>
        tpu.enqueue_dma source(%dma_start3A_93 : memref<25600xi32, #tpu.memory_space<hbm>>) target(%arg6 : memref<25600xi32, #tpu.memory_space<vmem>>) target_semaphore(%run_scoped3A_90 : memref<!tpu.dma_semaphore, #tpu.memory_space<semaphore_mem>>)
        %dma_wait3A = tpu.memref_slice %arg2[%run_scoped3A, %mul3A_89] : memref<2x800000xi32, #tpu.memory_space<hbm>> -> memref<1x25600xi32, #tpu.memory_space<hbm>>
        %dma_wait3A_94 = tpu.memref_squeeze %dma_wait3A : memref<1x25600xi32, #tpu.memory_space<hbm>> -> memref<25600xi32, #tpu.memory_space<hbm>>
        %dma_wait3A_95 = tpu.memref_slice %arg2[%run_scoped3A, %mul3A_89] : memref<2x800000xi32, #tpu.memory_space<hbm>> -> memref<1x25600xi32, #tpu.memory_space<hbm>>
        %dma_wait3A_96 = tpu.memref_squeeze %dma_wait3A_95 : memref<1x25600xi32, #tpu.memory_space<hbm>> -> memref<25600xi32, #tpu.memory_space<hbm>>
        tpu.wait_dma2 semaphore(%run_scoped3A_90 : memref<!tpu.dma_semaphore, #tpu.memory_space<semaphore_mem>>) src(%dma_wait3A_96 : memref<25600xi32, #tpu.memory_space<hbm>>) dst(%arg6 : memref<25600xi32, #tpu.memory_space<vmem>>)
        tpu.yield
      }) : () -> ()
    } else {
    }
    %eq3A = arith.constant 31 : i32
    %eq3A_28 = arith.cmpi eq, %add3A, %eq3A : i32
    %convert_element_type3A_29 = arith.extui %eq3A_28 : i1 to i32
    %cond3A_30 = arith.constant 0 : i32
    %cond3A_31 = arith.cmpi ne, %convert_element_type3A_29, %cond3A_30 : i32
    scf.if %cond3A_31 {
      %run_scoped3A = arith.constant 0 : i32
      "tpu.region"() ({
        %run_scoped3A_88 = tpu.sem_alloc : memref<!tpu.dma_semaphore, #tpu.memory_space<semaphore_mem>>
        %dma_start3A = arith.constant 0 : i32
        %dma_start3A_89 = tpu.memref_slice %arg6[%dma_start3A] : memref<25600xi32, #tpu.memory_space<vmem>> -> memref<6400xi32, #tpu.memory_space<vmem>>
        %dma_start3A_90 = arith.constant 793600 : i32
        %dma_start3A_91 = tpu.memref_slice %arg2[%run_scoped3A, %dma_start3A_90] : memref<2x800000xi32, #tpu.memory_space<hbm>> -> memref<1x6400xi32, #tpu.memory_space<hbm>>
        %dma_start3A_92 = tpu.memref_squeeze %dma_start3A_91 : memref<1x6400xi32, #tpu.memory_space<hbm>> -> memref<6400xi32, #tpu.memory_space<hbm>>
        %dma_start3A_93 = arith.constant 0 : i32
        %dma_start3A_94 = tpu.memref_slice %arg6[%dma_start3A_93] : memref<25600xi32, #tpu.memory_space<vmem>> -> memref<6400xi32, #tpu.memory_space<vmem>>
        %dma_start3A_95 = arith.constant 793600 : i32
        %dma_start3A_96 = tpu.memref_slice %arg2[%run_scoped3A, %dma_start3A_95] : memref<2x800000xi32, #tpu.memory_space<hbm>> -> memref<1x6400xi32, #tpu.memory_space<hbm>>
        %dma_start3A_97 = tpu.memref_squeeze %dma_start3A_96 : memref<1x6400xi32, #tpu.memory_space<hbm>> -> memref<6400xi32, #tpu.memory_space<hbm>>
        tpu.enqueue_dma source(%dma_start3A_97 : memref<6400xi32, #tpu.memory_space<hbm>>) target(%dma_start3A_94 : memref<6400xi32, #tpu.memory_space<vmem>>) target_semaphore(%run_scoped3A_88 : memref<!tpu.dma_semaphore, #tpu.memory_space<semaphore_mem>>)
        %dma_wait3A = arith.constant 0 : i32
        %dma_wait3A_98 = tpu.memref_slice %arg6[%dma_wait3A] : memref<25600xi32, #tpu.memory_space<vmem>> -> memref<6400xi32, #tpu.memory_space<vmem>>
        %dma_wait3A_99 = arith.constant 793600 : i32
        %dma_wait3A_100 = tpu.memref_slice %arg2[%run_scoped3A, %dma_wait3A_99] : memref<2x800000xi32, #tpu.memory_space<hbm>> -> memref<1x6400xi32, #tpu.memory_space<hbm>>
        %dma_wait3A_101 = tpu.memref_squeeze %dma_wait3A_100 : memref<1x6400xi32, #tpu.memory_space<hbm>> -> memref<6400xi32, #tpu.memory_space<hbm>>
        %dma_wait3A_102 = arith.constant 0 : i32
        %dma_wait3A_103 = tpu.memref_slice %arg6[%dma_wait3A_102] : memref<25600xi32, #tpu.memory_space<vmem>> -> memref<6400xi32, #tpu.memory_space<vmem>>
        %dma_wait3A_104 = arith.constant 793600 : i32
        %dma_wait3A_105 = tpu.memref_slice %arg2[%run_scoped3A, %dma_wait3A_104] : memref<2x800000xi32, #tpu.memory_space<hbm>> -> memref<1x6400xi32, #tpu.memory_space<hbm>>
        %dma_wait3A_106 = tpu.memref_squeeze %dma_wait3A_105 : memref<1x6400xi32, #tpu.memory_space<hbm>> -> memref<6400xi32, #tpu.memory_space<hbm>>
        tpu.wait_dma2 semaphore(%run_scoped3A_88 : memref<!tpu.dma_semaphore, #tpu.memory_space<semaphore_mem>>) src(%dma_wait3A_106 : memref<6400xi32, #tpu.memory_space<hbm>>) dst(%dma_wait3A_103 : memref<6400xi32, #tpu.memory_space<vmem>>)
        tpu.yield
      }) : () -> ()
    } else {
    }
    %eq3A_32 = arith.constant 31 : i32
    %eq3A_33 = arith.cmpi eq, %add3A, %eq3A_32 : i32
    %jit3A = arith.constant 50 : i32
    %jit3A_34 = arith.constant 200 : i32
    %select_n3A = arith.select %eq3A_33, %jit3A, %jit3A_34 : i32
    %lt3A_35 = arith.constant 31 : i32
    %lt3A_36 = arith.cmpi slt, %add3A, %lt3A_35 : i32
    %convert_element_type3A_37 = arith.extui %lt3A_36 : i1 to i32
    %cond3A_38 = arith.constant 0 : i32
    %cond3A_39 = arith.cmpi ne, %convert_element_type3A_37, %cond3A_38 : i32
    scf.if %cond3A_39 {
      %mul3A_88 = arith.constant 25600 : i32
      %mul3A_89 = arith.muli %add3A, %mul3A_88 : i32
      %run_scoped3A = arith.constant 1 : i32
      "tpu.region"() ({
        %run_scoped3A_90 = tpu.sem_alloc : memref<!tpu.dma_semaphore, #tpu.memory_space<semaphore_mem>>
        %dma_start3A = tpu.memref_slice %arg2[%run_scoped3A, %mul3A_89] : memref<2x800000xi32, #tpu.memory_space<hbm>> -> memref<1x25600xi32, #tpu.memory_space<hbm>>
        %dma_start3A_91 = tpu.memref_squeeze %dma_start3A : memref<1x25600xi32, #tpu.memory_space<hbm>> -> memref<25600xi32, #tpu.memory_space<hbm>>
        %dma_start3A_92 = tpu.memref_slice %arg2[%run_scoped3A, %mul3A_89] : memref<2x800000xi32, #tpu.memory_space<hbm>> -> memref<1x25600xi32, #tpu.memory_space<hbm>>
        %dma_start3A_93 = tpu.memref_squeeze %dma_start3A_92 : memref<1x25600xi32, #tpu.memory_space<hbm>> -> memref<25600xi32, #tpu.memory_space<hbm>>
        tpu.enqueue_dma source(%dma_start3A_93 : memref<25600xi32, #tpu.memory_space<hbm>>) target(%arg7 : memref<25600xi32, #tpu.memory_space<vmem>>) target_semaphore(%run_scoped3A_90 : memref<!tpu.dma_semaphore, #tpu.memory_space<semaphore_mem>>)
        %dma_wait3A = tpu.memref_slice %arg2[%run_scoped3A, %mul3A_89] : memref<2x800000xi32, #tpu.memory_space<hbm>> -> memref<1x25600xi32, #tpu.memory_space<hbm>>
        %dma_wait3A_94 = tpu.memref_squeeze %dma_wait3A : memref<1x25600xi32, #tpu.memory_space<hbm>> -> memref<25600xi32, #tpu.memory_space<hbm>>
        %dma_wait3A_95 = tpu.memref_slice %arg2[%run_scoped3A, %mul3A_89] : memref<2x800000xi32, #tpu.memory_space<hbm>> -> memref<1x25600xi32, #tpu.memory_space<hbm>>
        %dma_wait3A_96 = tpu.memref_squeeze %dma_wait3A_95 : memref<1x25600xi32, #tpu.memory_space<hbm>> -> memref<25600xi32, #tpu.memory_space<hbm>>
        tpu.wait_dma2 semaphore(%run_scoped3A_90 : memref<!tpu.dma_semaphore, #tpu.memory_space<semaphore_mem>>) src(%dma_wait3A_96 : memref<25600xi32, #tpu.memory_space<hbm>>) dst(%arg7 : memref<25600xi32, #tpu.memory_space<vmem>>)
        tpu.yield
      }) : () -> ()
    } else {
    }
    %eq3A_40 = arith.constant 31 : i32
    %eq3A_41 = arith.cmpi eq, %add3A, %eq3A_40 : i32
    %convert_element_type3A_42 = arith.extui %eq3A_41 : i1 to i32
    %cond3A_43 = arith.constant 0 : i32
    %cond3A_44 = arith.cmpi ne, %convert_element_type3A_42, %cond3A_43 : i32
    scf.if %cond3A_44 {
      %run_scoped3A = arith.constant 1 : i32
      "tpu.region"() ({
        %run_scoped3A_88 = tpu.sem_alloc : memref<!tpu.dma_semaphore, #tpu.memory_space<semaphore_mem>>
        %dma_start3A = arith.constant 0 : i32
        %dma_start3A_89 = tpu.memref_slice %arg7[%dma_start3A] : memref<25600xi32, #tpu.memory_space<vmem>> -> memref<6400xi32, #tpu.memory_space<vmem>>
        %dma_start3A_90 = arith.constant 793600 : i32
        %dma_start3A_91 = tpu.memref_slice %arg2[%run_scoped3A, %dma_start3A_90] : memref<2x800000xi32, #tpu.memory_space<hbm>> -> memref<1x6400xi32, #tpu.memory_space<hbm>>
        %dma_start3A_92 = tpu.memref_squeeze %dma_start3A_91 : memref<1x6400xi32, #tpu.memory_space<hbm>> -> memref<6400xi32, #tpu.memory_space<hbm>>
        %dma_start3A_93 = arith.constant 0 : i32
        %dma_start3A_94 = tpu.memref_slice %arg7[%dma_start3A_93] : memref<25600xi32, #tpu.memory_space<vmem>> -> memref<6400xi32, #tpu.memory_space<vmem>>
        %dma_start3A_95 = arith.constant 793600 : i32
        %dma_start3A_96 = tpu.memref_slice %arg2[%run_scoped3A, %dma_start3A_95] : memref<2x800000xi32, #tpu.memory_space<hbm>> -> memref<1x6400xi32, #tpu.memory_space<hbm>>
        %dma_start3A_97 = tpu.memref_squeeze %dma_start3A_96 : memref<1x6400xi32, #tpu.memory_space<hbm>> -> memref<6400xi32, #tpu.memory_space<hbm>>
        tpu.enqueue_dma source(%dma_start3A_97 : memref<6400xi32, #tpu.memory_space<hbm>>) target(%dma_start3A_94 : memref<6400xi32, #tpu.memory_space<vmem>>) target_semaphore(%run_scoped3A_88 : memref<!tpu.dma_semaphore, #tpu.memory_space<semaphore_mem>>)
        %dma_wait3A = arith.constant 0 : i32
        %dma_wait3A_98 = tpu.memref_slice %arg7[%dma_wait3A] : memref<25600xi32, #tpu.memory_space<vmem>> -> memref<6400xi32, #tpu.memory_space<vmem>>
        %dma_wait3A_99 = arith.constant 793600 : i32
        %dma_wait3A_100 = tpu.memref_slice %arg2[%run_scoped3A, %dma_wait3A_99] : memref<2x800000xi32, #tpu.memory_space<hbm>> -> memref<1x6400xi32, #tpu.memory_space<hbm>>
        %dma_wait3A_101 = tpu.memref_squeeze %dma_wait3A_100 : memref<1x6400xi32, #tpu.memory_space<hbm>> -> memref<6400xi32, #tpu.memory_space<hbm>>
        %dma_wait3A_102 = arith.constant 0 : i32
        %dma_wait3A_103 = tpu.memref_slice %arg7[%dma_wait3A_102] : memref<25600xi32, #tpu.memory_space<vmem>> -> memref<6400xi32, #tpu.memory_space<vmem>>
        %dma_wait3A_104 = arith.constant 793600 : i32
        %dma_wait3A_105 = tpu.memref_slice %arg2[%run_scoped3A, %dma_wait3A_104] : memref<2x800000xi32, #tpu.memory_space<hbm>> -> memref<1x6400xi32, #tpu.memory_space<hbm>>
        %dma_wait3A_106 = tpu.memref_squeeze %dma_wait3A_105 : memref<1x6400xi32, #tpu.memory_space<hbm>> -> memref<6400xi32, #tpu.memory_space<hbm>>
        tpu.wait_dma2 semaphore(%run_scoped3A_88 : memref<!tpu.dma_semaphore, #tpu.memory_space<semaphore_mem>>) src(%dma_wait3A_106 : memref<6400xi32, #tpu.memory_space<hbm>>) dst(%dma_wait3A_103 : memref<6400xi32, #tpu.memory_space<vmem>>)
        tpu.yield
      }) : () -> ()
    } else {
    }
    %eq3A_45 = arith.constant 31 : i32
    %eq3A_46 = arith.cmpi eq, %add3A, %eq3A_45 : i32
    %jit3A_47 = arith.constant 50 : i32
    %jit3A_48 = arith.constant 200 : i32
    %select_n3A_49 = arith.select %eq3A_46, %jit3A_47, %jit3A_48 : i32
    %scan3A_50 = arith.constant 0 : i32
    %scan3A_51 = arith.constant 0 : i32
    %scan3A_52 = arith.constant 8 : i32
    %scan3A_53 = arith.addi %scan3A_51, %scan3A_52 : i32
    %scan3A_54 = arith.constant 1 : i32
    %scan3A_55 = scf.for %scan3A_88 = %scan3A_51 to %scan3A_53 step %scan3A_54 iter_args(%scan3A_89 = %scan3A_50) -> (i32)  : i32 {
      %mul3A_90 = arith.constant 128 : i32
      %mul3A_91 = arith.muli %scan3A_88, %mul3A_90 : i32
      %mul3A_92 = arith.constant 128 : i32
      %mul3A_93 = arith.muli %scan3A_88, %mul3A_92 : i32
      %dma_start3A = tpu.memref_slice %arg8[%mul3A_93] : memref<25600xf32, #tpu.memory_space<vmem>> -> memref<128xf32, #tpu.memory_space<vmem>>
      %dma_start3A_94 = tpu.memref_slice %arg6[%mul3A_91] : memref<25600xi32, #tpu.memory_space<vmem>> -> memref<128xi32, #tpu.memory_space<vmem>>
      %dma_start3A_95 = arith.constant 0 : i32
      %dma_start3A_96 = tpu.memref_slice %arg9[%dma_start3A_95] : memref<50176xf32, #tpu.memory_space<vmem_shared>> -> memref<50176xf32, #tpu.memory_space<vmem_shared>>
      tpu.enqueue_indirect_dma source(%dma_start3A_96 : memref<50176xf32, #tpu.memory_space<vmem_shared>>) target(%dma_start3A : memref<128xf32, #tpu.memory_space<vmem>>) offsets(%dma_start3A_94 : memref<128xi32, #tpu.memory_space<vmem>>) semaphore(%arg11 : memref<!tpu.dma_semaphore, #tpu.memory_space<semaphore_mem>>)
      %scan3A_97 = arith.constant 0 : i32
      scf.yield %scan3A_97 : i32
    }
    %scan3A_56 = arith.constant 8 : i32
    %while3A = arith.constant 0 : i32
    %while3A_57 = arith.constant 0 : i32
    %while3A_58 = arith.subi %select_n3A_49, %while3A : i32
    %while3A_59 = arith.addi %while3A, %while3A_58 : i32
    %while3A_60 = arith.constant 1 : i32
    %while3A_61 = arith.divsi %while3A_58, %while3A_60 : i32
    %while3A_62 = arith.muli %while3A_61, %while3A_60 : i32
    %while3A_63 = arith.addi %while3A, %while3A_62 : i32
    %while3A_64 = arith.constant 1 : i32
    %while3A_65 = scf.for %while3A_88 = %while3A to %while3A_63 step %while3A_64 iter_args(%while3A_89 = %while3A_57) -> (i32)  : i32 {
      %dma_wait3A = arith.constant 0 : i32
      %dma_wait3A_90 = tpu.memref_slice %arg8[%dma_wait3A] : memref<25600xf32, #tpu.memory_space<vmem>> -> memref<128xf32, #tpu.memory_space<vmem>>
      %dma_wait3A_91 = arith.constant 0 : i32
      %dma_wait3A_92 = tpu.memref_slice %arg6[%dma_wait3A_91] : memref<25600xi32, #tpu.memory_space<vmem>> -> memref<128xi32, #tpu.memory_space<vmem>>
      %dma_wait3A_93 = arith.constant 0 : i32
      %dma_wait3A_94 = tpu.memref_slice %arg9[%dma_wait3A_93] : memref<50176xf32, #tpu.memory_space<vmem_shared>> -> memref<50176xf32, #tpu.memory_space<vmem_shared>>
      tpu.wait_indirect_dma semaphore(%arg11 : memref<!tpu.dma_semaphore, #tpu.memory_space<semaphore_mem>>) src(%dma_wait3A_94 : memref<50176xf32, #tpu.memory_space<vmem_shared>>) dst(%dma_wait3A_90 : memref<128xf32, #tpu.memory_space<vmem>>)
      %mul3A_95 = arith.constant 128 : i32
      %mul3A_96 = arith.muli %while3A_88, %mul3A_95 : i32
      %mul3A_97 = arith.constant 128 : i32
      %mul3A_98 = arith.muli %while3A_88, %mul3A_97 : i32
      %dma_start3A = tpu.memref_slice %arg8[%mul3A_96] : memref<25600xf32, #tpu.memory_space<vmem>> -> memref<128xf32, #tpu.memory_space<vmem>>
      %dma_start3A_99 = tpu.memref_slice %arg7[%mul3A_98] : memref<25600xi32, #tpu.memory_space<vmem>> -> memref<128xi32, #tpu.memory_space<vmem>>
      %dma_start3A_100 = arith.constant 0 : i32
      %dma_start3A_101 = tpu.memref_slice %arg10[%dma_start3A_100] : memref<50176xf32, #tpu.memory_space<vmem_shared>> -> memref<50176xf32, #tpu.memory_space<vmem_shared>>
      tpu.enqueue_indirect_dma source(%dma_start3A : memref<128xf32, #tpu.memory_space<vmem>>) target(%dma_start3A_101 : memref<50176xf32, #tpu.memory_space<vmem_shared>>) offsets(%dma_start3A_99 : memref<128xi32, #tpu.memory_space<vmem>>) semaphore(%arg12 : memref<!tpu.dma_semaphore, #tpu.memory_space<semaphore_mem>>) {add = true}
      %add3A_102 = arith.constant 8 : i32
      %add3A_103 = arith.addi %while3A_88, %add3A_102 : i32
      %lt3A_104 = arith.cmpi slt, %add3A_103, %select_n3A_49 : i32
      %convert_element_type3A_105 = arith.extui %lt3A_104 : i1 to i32
      %cond3A_106 = arith.constant 0 : i32
      %cond3A_107 = arith.cmpi ne, %convert_element_type3A_105, %cond3A_106 : i32
      scf.if %cond3A_107 {
        %add3A_109 = arith.constant 8 : i32
        %add3A_110 = arith.addi %while3A_88, %add3A_109 : i32
        %mul3A_111 = arith.constant 128 : i32
        %mul3A_112 = arith.muli %add3A_110, %mul3A_111 : i32
        %mul3A_113 = arith.constant 128 : i32
        %mul3A_114 = arith.muli %add3A_110, %mul3A_113 : i32
        %dma_start3A_115 = tpu.memref_slice %arg8[%mul3A_114] : memref<25600xf32, #tpu.memory_space<vmem>> -> memref<128xf32, #tpu.memory_space<vmem>>
        %dma_start3A_116 = tpu.memref_slice %arg6[%mul3A_112] : memref<25600xi32, #tpu.memory_space<vmem>> -> memref<128xi32, #tpu.memory_space<vmem>>
        %dma_start3A_117 = arith.constant 0 : i32
        %dma_start3A_118 = tpu.memref_slice %arg9[%dma_start3A_117] : memref<50176xf32, #tpu.memory_space<vmem_shared>> -> memref<50176xf32, #tpu.memory_space<vmem_shared>>
        tpu.enqueue_indirect_dma source(%dma_start3A_118 : memref<50176xf32, #tpu.memory_space<vmem_shared>>) target(%dma_start3A_115 : memref<128xf32, #tpu.memory_space<vmem>>) offsets(%dma_start3A_116 : memref<128xi32, #tpu.memory_space<vmem>>) semaphore(%arg11 : memref<!tpu.dma_semaphore, #tpu.memory_space<semaphore_mem>>)
      } else {
      }
      %while3A_108 = arith.constant 0 : i32
      scf.yield %while3A_108 : i32
    }
    %while3A_66 = arith.constant 1 : i32
    %while3A_67 = scf.for %while3A_88 = %while3A_63 to %while3A_59 step %while3A_66 iter_args(%while3A_89 = %while3A_65) -> (i32)  : i32 {
      %dma_wait3A = arith.constant 0 : i32
      %dma_wait3A_90 = tpu.memref_slice %arg8[%dma_wait3A] : memref<25600xf32, #tpu.memory_space<vmem>> -> memref<128xf32, #tpu.memory_space<vmem>>
      %dma_wait3A_91 = arith.constant 0 : i32
      %dma_wait3A_92 = tpu.memref_slice %arg6[%dma_wait3A_91] : memref<25600xi32, #tpu.memory_space<vmem>> -> memref<128xi32, #tpu.memory_space<vmem>>
      %dma_wait3A_93 = arith.constant 0 : i32
      %dma_wait3A_94 = tpu.memref_slice %arg9[%dma_wait3A_93] : memref<50176xf32, #tpu.memory_space<vmem_shared>> -> memref<50176xf32, #tpu.memory_space<vmem_shared>>
      tpu.wait_indirect_dma semaphore(%arg11 : memref<!tpu.dma_semaphore, #tpu.memory_space<semaphore_mem>>) src(%dma_wait3A_94 : memref<50176xf32, #tpu.memory_space<vmem_shared>>) dst(%dma_wait3A_90 : memref<128xf32, #tpu.memory_space<vmem>>)
      %mul3A_95 = arith.constant 128 : i32
      %mul3A_96 = arith.muli %while3A_88, %mul3A_95 : i32
      %mul3A_97 = arith.constant 128 : i32
      %mul3A_98 = arith.muli %while3A_88, %mul3A_97 : i32
      %dma_start3A = tpu.memref_slice %arg8[%mul3A_96] : memref<25600xf32, #tpu.memory_space<vmem>> -> memref<128xf32, #tpu.memory_space<vmem>>
      %dma_start3A_99 = tpu.memref_slice %arg7[%mul3A_98] : memref<25600xi32, #tpu.memory_space<vmem>> -> memref<128xi32, #tpu.memory_space<vmem>>
      %dma_start3A_100 = arith.constant 0 : i32
      %dma_start3A_101 = tpu.memref_slice %arg10[%dma_start3A_100] : memref<50176xf32, #tpu.memory_space<vmem_shared>> -> memref<50176xf32, #tpu.memory_space<vmem_shared>>
      tpu.enqueue_indirect_dma source(%dma_start3A : memref<128xf32, #tpu.memory_space<vmem>>) target(%dma_start3A_101 : memref<50176xf32, #tpu.memory_space<vmem_shared>>) offsets(%dma_start3A_99 : memref<128xi32, #tpu.memory_space<vmem>>) semaphore(%arg12 : memref<!tpu.dma_semaphore, #tpu.memory_space<semaphore_mem>>) {add = true}
      %add3A_102 = arith.constant 8 : i32
      %add3A_103 = arith.addi %while3A_88, %add3A_102 : i32
      %lt3A_104 = arith.cmpi slt, %add3A_103, %select_n3A_49 : i32
      %convert_element_type3A_105 = arith.extui %lt3A_104 : i1 to i32
      %cond3A_106 = arith.constant 0 : i32
      %cond3A_107 = arith.cmpi ne, %convert_element_type3A_105, %cond3A_106 : i32
      scf.if %cond3A_107 {
        %add3A_109 = arith.constant 8 : i32
        %add3A_110 = arith.addi %while3A_88, %add3A_109 : i32
        %mul3A_111 = arith.constant 128 : i32
        %mul3A_112 = arith.muli %add3A_110, %mul3A_111 : i32
        %mul3A_113 = arith.constant 128 : i32
        %mul3A_114 = arith.muli %add3A_110, %mul3A_113 : i32
        %dma_start3A_115 = tpu.memref_slice %arg8[%mul3A_114] : memref<25600xf32, #tpu.memory_space<vmem>> -> memref<128xf32, #tpu.memory_space<vmem>>
        %dma_start3A_116 = tpu.memref_slice %arg6[%mul3A_112] : memref<25600xi32, #tpu.memory_space<vmem>> -> memref<128xi32, #tpu.memory_space<vmem>>
        %dma_start3A_117 = arith.constant 0 : i32
        %dma_start3A_118 = tpu.memref_slice %arg9[%dma_start3A_117] : memref<50176xf32, #tpu.memory_space<vmem_shared>> -> memref<50176xf32, #tpu.memory_space<vmem_shared>>
        tpu.enqueue_indirect_dma source(%dma_start3A_118 : memref<50176xf32, #tpu.memory_space<vmem_shared>>) target(%dma_start3A_115 : memref<128xf32, #tpu.memory_space<vmem>>) offsets(%dma_start3A_116 : memref<128xi32, #tpu.memory_space<vmem>>) semaphore(%arg11 : memref<!tpu.dma_semaphore, #tpu.memory_space<semaphore_mem>>)
      } else {
      }
      %while3A_108 = arith.constant 0 : i32
      scf.yield %while3A_108 : i32
    }
    %while3A_68 = arith.constant 0 : i32
    %while3A_69 = arith.constant 0 : i32
    %while3A_70 = arith.subi %select_n3A_49, %while3A_68 : i32
    %while3A_71 = arith.addi %while3A_68, %while3A_70 : i32
    %while3A_72 = arith.constant 1 : i32
    %while3A_73 = arith.divsi %while3A_70, %while3A_72 : i32
    %while3A_74 = arith.muli %while3A_73, %while3A_72 : i32
    %while3A_75 = arith.addi %while3A_68, %while3A_74 : i32
    %while3A_76 = arith.constant 1 : i32
    %while3A_77 = scf.for %while3A_88 = %while3A_68 to %while3A_75 step %while3A_76 iter_args(%while3A_89 = %while3A_69) -> (i32)  : i32 {
      %dma_wait3A = arith.constant 0 : i32
      %dma_wait3A_90 = tpu.memref_slice %arg8[%dma_wait3A] : memref<25600xf32, #tpu.memory_space<vmem>> -> memref<128xf32, #tpu.memory_space<vmem>>
      %dma_wait3A_91 = arith.constant 0 : i32
      %dma_wait3A_92 = tpu.memref_slice %arg7[%dma_wait3A_91] : memref<25600xi32, #tpu.memory_space<vmem>> -> memref<128xi32, #tpu.memory_space<vmem>>
      %dma_wait3A_93 = arith.constant 0 : i32
      %dma_wait3A_94 = tpu.memref_slice %arg10[%dma_wait3A_93] : memref<50176xf32, #tpu.memory_space<vmem_shared>> -> memref<50176xf32, #tpu.memory_space<vmem_shared>>
      tpu.wait_indirect_dma semaphore(%arg12 : memref<!tpu.dma_semaphore, #tpu.memory_space<semaphore_mem>>) src(%dma_wait3A_90 : memref<128xf32, #tpu.memory_space<vmem>>) dst(%dma_wait3A_94 : memref<50176xf32, #tpu.memory_space<vmem_shared>>)
      %while3A_95 = arith.constant 0 : i32
      scf.yield %while3A_95 : i32
    }
    %while3A_78 = arith.constant 1 : i32
    %while3A_79 = scf.for %while3A_88 = %while3A_75 to %while3A_71 step %while3A_78 iter_args(%while3A_89 = %while3A_77) -> (i32)  : i32 {
      %dma_wait3A = arith.constant 0 : i32
      %dma_wait3A_90 = tpu.memref_slice %arg8[%dma_wait3A] : memref<25600xf32, #tpu.memory_space<vmem>> -> memref<128xf32, #tpu.memory_space<vmem>>
      %dma_wait3A_91 = arith.constant 0 : i32
      %dma_wait3A_92 = tpu.memref_slice %arg7[%dma_wait3A_91] : memref<25600xi32, #tpu.memory_space<vmem>> -> memref<128xi32, #tpu.memory_space<vmem>>
      %dma_wait3A_93 = arith.constant 0 : i32
      %dma_wait3A_94 = tpu.memref_slice %arg10[%dma_wait3A_93] : memref<50176xf32, #tpu.memory_space<vmem_shared>> -> memref<50176xf32, #tpu.memory_space<vmem_shared>>
      tpu.wait_indirect_dma semaphore(%arg12 : memref<!tpu.dma_semaphore, #tpu.memory_space<semaphore_mem>>) src(%dma_wait3A_90 : memref<128xf32, #tpu.memory_space<vmem>>) dst(%dma_wait3A_94 : memref<50176xf32, #tpu.memory_space<vmem_shared>>)
      %while3A_95 = arith.constant 0 : i32
      scf.yield %while3A_95 : i32
    }
    %barrier3A_80 = arith.constant 0 : index
    tpu.barrier barrier_id(%barrier3A_80)
    %mul3A_81 = arith.constant 3136 : i32
    %mul3A_82 = arith.muli %arg1, %mul3A_81 : i32
    "tpu.region"() ({
      %run_scoped3A = tpu.sem_alloc : memref<!tpu.dma_semaphore, #tpu.memory_space<semaphore_mem>>
      %dma_start3A = arith.constant 0 : i32
      %dma_start3A_88 = tpu.memref_slice %arg8[%dma_start3A] : memref<25600xf32, #tpu.memory_space<vmem>> -> memref<3136xf32, #tpu.memory_space<vmem>>
      %dma_start3A_89 = tpu.memref_slice %arg10[%mul3A_82] : memref<50176xf32, #tpu.memory_space<vmem_shared>> -> memref<3136xf32, #tpu.memory_space<vmem_shared>>
      %dma_start3A_90 = arith.constant 0 : i32
      %dma_start3A_91 = tpu.memref_slice %arg8[%dma_start3A_90] : memref<25600xf32, #tpu.memory_space<vmem>> -> memref<3136xf32, #tpu.memory_space<vmem>>
      %dma_start3A_92 = tpu.memref_slice %arg10[%mul3A_82] : memref<50176xf32, #tpu.memory_space<vmem_shared>> -> memref<3136xf32, #tpu.memory_space<vmem_shared>>
      tpu.enqueue_dma source(%dma_start3A_92 : memref<3136xf32, #tpu.memory_space<vmem_shared>>) target(%dma_start3A_91 : memref<3136xf32, #tpu.memory_space<vmem>>) target_semaphore(%run_scoped3A : memref<!tpu.dma_semaphore, #tpu.memory_space<semaphore_mem>>)
      %dma_wait3A = arith.constant 0 : i32
      %dma_wait3A_93 = tpu.memref_slice %arg8[%dma_wait3A] : memref<25600xf32, #tpu.memory_space<vmem>> -> memref<3136xf32, #tpu.memory_space<vmem>>
      %dma_wait3A_94 = tpu.memref_slice %arg10[%mul3A_82] : memref<50176xf32, #tpu.memory_space<vmem_shared>> -> memref<3136xf32, #tpu.memory_space<vmem_shared>>
      %dma_wait3A_95 = arith.constant 0 : i32
      %dma_wait3A_96 = tpu.memref_slice %arg8[%dma_wait3A_95] : memref<25600xf32, #tpu.memory_space<vmem>> -> memref<3136xf32, #tpu.memory_space<vmem>>
      %dma_wait3A_97 = tpu.memref_slice %arg10[%mul3A_82] : memref<50176xf32, #tpu.memory_space<vmem_shared>> -> memref<3136xf32, #tpu.memory_space<vmem_shared>>
      tpu.wait_dma2 semaphore(%run_scoped3A : memref<!tpu.dma_semaphore, #tpu.memory_space<semaphore_mem>>) src(%dma_wait3A_97 : memref<3136xf32, #tpu.memory_space<vmem_shared>>) dst(%dma_wait3A_96 : memref<3136xf32, #tpu.memory_space<vmem>>)
      tpu.yield
    }) : () -> ()
    %mul3A_83 = arith.constant 50176 : i32
    %mul3A_84 = arith.muli %arg0, %mul3A_83 : i32
    %mul3A_85 = arith.constant 3136 : i32
    %mul3A_86 = arith.muli %arg1, %mul3A_85 : i32
    %add3A_87 = arith.addi %mul3A_84, %mul3A_86 : i32
    "tpu.region"() ({
      %run_scoped3A = tpu.sem_alloc : memref<!tpu.dma_semaphore, #tpu.memory_space<semaphore_mem>>
      %dma_start3A = arith.constant 0 : i32
      %dma_start3A_88 = tpu.memref_slice %arg8[%dma_start3A] : memref<25600xf32, #tpu.memory_space<vmem>> -> memref<3136xf32, #tpu.memory_space<vmem>>
      %dma_start3A_89 = tpu.memref_slice %arg5[%add3A_87] : memref<100352xf32, #tpu.memory_space<hbm>> -> memref<3136xf32, #tpu.memory_space<hbm>>
      %dma_start3A_90 = tpu.memref_slice %arg5[%add3A_87] : memref<100352xf32, #tpu.memory_space<hbm>> -> memref<3136xf32, #tpu.memory_space<hbm>>
      %dma_start3A_91 = arith.constant 0 : i32
      %dma_start3A_92 = tpu.memref_slice %arg8[%dma_start3A_91] : memref<25600xf32, #tpu.memory_space<vmem>> -> memref<3136xf32, #tpu.memory_space<vmem>>
      tpu.enqueue_dma source(%dma_start3A_92 : memref<3136xf32, #tpu.memory_space<vmem>>) target(%dma_start3A_90 : memref<3136xf32, #tpu.memory_space<hbm>>) target_semaphore(%run_scoped3A : memref<!tpu.dma_semaphore, #tpu.memory_space<semaphore_mem>>)
      %dma_wait3A = arith.constant 0 : i32
      %dma_wait3A_93 = tpu.memref_slice %arg8[%dma_wait3A] : memref<25600xf32, #tpu.memory_space<vmem>> -> memref<3136xf32, #tpu.memory_space<vmem>>
      %dma_wait3A_94 = tpu.memref_slice %arg5[%add3A_87] : memref<100352xf32, #tpu.memory_space<hbm>> -> memref<3136xf32, #tpu.memory_space<hbm>>
      %dma_wait3A_95 = tpu.memref_slice %arg5[%add3A_87] : memref<100352xf32, #tpu.memory_space<hbm>> -> memref<3136xf32, #tpu.memory_space<hbm>>
      %dma_wait3A_96 = arith.constant 0 : i32
      %dma_wait3A_97 = tpu.memref_slice %arg8[%dma_wait3A_96] : memref<25600xf32, #tpu.memory_space<vmem>> -> memref<3136xf32, #tpu.memory_space<vmem>>
      tpu.wait_dma2 semaphore(%run_scoped3A : memref<!tpu.dma_semaphore, #tpu.memory_space<semaphore_mem>>) src(%dma_wait3A_97 : memref<3136xf32, #tpu.memory_space<vmem>>) dst(%dma_wait3A_95 : memref<3136xf32, #tpu.memory_space<hbm>>)
      tpu.yield
    }) : () -> ()
    return
  }
}

module attributes {stable_mosaic.version = 14 : i64} {
  func.func @_head_body(%arg0: i32, %arg1: memref<2x1x1x7168xf32, #tpu.memory_space<vmem>>, %arg2: memref<2x1x1x7168xf32, #tpu.memory_space<vmem>>, %arg3: memref<1x1x7168xf32, #tpu.memory_space<vmem>>, %arg4: memref<1x1x7168xi32, #tpu.memory_space<vmem>>, %arg5: memref<128x1xf32, #tpu.memory_space<vmem>>, %arg6: memref<128x1xf32, #tpu.memory_space<vmem>>, %arg7: memref<128x1xf32, #tpu.memory_space<vmem>>, %arg8: memref<128x64xf32, #tpu.memory_space<vmem>>, %arg9: memref<1x64xf32, #tpu.memory_space<vmem>>, %arg10: memref<64x32xf32, #tpu.memory_space<vmem>>, %arg11: memref<1x32xf32, #tpu.memory_space<vmem>>, %arg12: memref<1x32xf32, #tpu.memory_space<vmem>>, %arg13: memref<32x1xf32, #tpu.memory_space<vmem>>, %arg14: memref<1x1xf32, #tpu.memory_space<vmem>>, %arg15: memref<128x1xf32, #tpu.memory_space<vmem>>, %arg16: memref<128x1xf32, #tpu.memory_space<vmem>>, %arg17: memref<128x128xf32, #tpu.memory_space<vmem>>) attributes {dimension_semantics = [#tpu.dimension_semantics<arbitrary>], iteration_bounds = array<i64: 7>, scalar_prefetch = 0 : i64, scratch_operands = 1 : i64, tpu.core_type = #tpu.core_type<tc>, window_params = [{transform_indices = @transform_0, window_bounds = array<i64: 2, 1, 1, 7168>}, {transform_indices = @transform_1, window_bounds = array<i64: 2, 1, 1, 7168>}, {transform_indices = @transform_2, window_bounds = array<i64: 1, 1, 7168>}, {transform_indices = @transform_3, window_bounds = array<i64: 1, 1, 7168>}, {pipeline_mode = #tpu.pipeline_mode<synchronous>, transform_indices = @transform_4, window_bounds = array<i64: 128, 1>}, {pipeline_mode = #tpu.pipeline_mode<synchronous>, transform_indices = @transform_5, window_bounds = array<i64: 128, 1>}, {pipeline_mode = #tpu.pipeline_mode<synchronous>, transform_indices = @transform_6, window_bounds = array<i64: 128, 1>}, {pipeline_mode = #tpu.pipeline_mode<synchronous>, transform_indices = @transform_7, window_bounds = array<i64: 128, 64>}, {pipeline_mode = #tpu.pipeline_mode<synchronous>, transform_indices = @transform_8, window_bounds = array<i64: 1, 64>}, {pipeline_mode = #tpu.pipeline_mode<synchronous>, transform_indices = @transform_9, window_bounds = array<i64: 64, 32>}, {pipeline_mode = #tpu.pipeline_mode<synchronous>, transform_indices = @transform_10, window_bounds = array<i64: 1, 32>}, {pipeline_mode = #tpu.pipeline_mode<synchronous>, transform_indices = @transform_11, window_bounds = array<i64: 1, 32>}, {pipeline_mode = #tpu.pipeline_mode<synchronous>, transform_indices = @transform_12, window_bounds = array<i64: 32, 1>}, {pipeline_mode = #tpu.pipeline_mode<synchronous>, transform_indices = @transform_13, window_bounds = array<i64: 1, 1>}, {pipeline_mode = #tpu.pipeline_mode<synchronous>, transform_indices = @transform_14, window_bounds = array<i64: 128, 1>}, {pipeline_mode = #tpu.pipeline_mode<synchronous>, transform_indices = @transform_15, window_bounds = array<i64: 128, 1>}]} {
    %eq3A = arith.constant 0 : i32
    %eq3A_0 = arith.cmpi eq, %arg0, %eq3A : i32
    %convert_element_type3A = arith.extui %eq3A_0 : i1 to i32
    %cond3A = arith.constant 0 : i32
    %cond3A_1 = arith.cmpi ne, %convert_element_type3A, %cond3A : i32
    scf.if %cond3A_1 {
      %broadcast_in_dim3A_83 = arith.constant 0.000000e+00 : f32
      %broadcast_in_dim3A_84 = vector.broadcast %broadcast_in_dim3A_83 : f32 to vector<128x128xf32>
      %swap3A_85 = arith.constant 0 : index
      %swap3A_86 = arith.constant 0 : index
      %swap3A_87 = vector.load %arg17[%swap3A_85, %swap3A_86] : memref<128x128xf32, #tpu.memory_space<vmem>>, vector<128x128xf32>
      tpu.vector_store %arg17[%swap3A_85, %swap3A_86], %broadcast_in_dim3A_84 {strides = array<i32>} : memref<128x128xf32, #tpu.memory_space<vmem>>, vector<128x128xf32>,
    } else {
    }
    %get3A = arith.constant 0 : index
    %get3A_2 = arith.constant 0 : index
    %get3A_3 = arith.constant 0 : index
    %get3A_4 = arith.constant 0 : index
    %get3A_5 = vector.load %arg2[%get3A, %get3A_2, %get3A_3, %get3A_4] : memref<2x1x1x7168xf32, #tpu.memory_space<vmem>>, vector<1x1x1x7168xf32>
    %get3A_6 = vector.shape_cast %get3A_5 : vector<1x1x1x7168xf32> to vector<1x7168xf32>
    %get3A_7 = arith.constant 1 : index
    %get3A_8 = arith.constant 0 : index
    %get3A_9 = arith.constant 0 : index
    %get3A_10 = arith.constant 0 : index
    %get3A_11 = vector.load %arg2[%get3A_7, %get3A_8, %get3A_9, %get3A_10] : memref<2x1x1x7168xf32, #tpu.memory_space<vmem>>, vector<1x1x1x7168xf32>
    %get3A_12 = vector.shape_cast %get3A_11 : vector<1x1x1x7168xf32> to vector<1x7168xf32>
    %add3A = arith.addf %get3A_6, %get3A_12 : vector<1x7168xf32>
    %add3A_13 = arith.constant 1.000000e+00 : f32
    %add3A_14 = vector.broadcast %add3A_13 : f32 to vector<1x7168xf32>
    %add3A_15 = arith.addf %add3A, %add3A_14 : vector<1x7168xf32>
    %get3A_16 = arith.constant 0 : index
    %get3A_17 = arith.constant 0 : index
    %get3A_18 = arith.constant 0 : index
    %get3A_19 = arith.constant 0 : index
    %get3A_20 = vector.load %arg1[%get3A_16, %get3A_17, %get3A_18, %get3A_19] : memref<2x1x1x7168xf32, #tpu.memory_space<vmem>>, vector<1x1x1x7168xf32>
    %get3A_21 = vector.shape_cast %get3A_20 : vector<1x1x1x7168xf32> to vector<1x7168xf32>
    %get3A_22 = arith.constant 1 : index
    %get3A_23 = arith.constant 0 : index
    %get3A_24 = arith.constant 0 : index
    %get3A_25 = arith.constant 0 : index
    %get3A_26 = vector.load %arg1[%get3A_22, %get3A_23, %get3A_24, %get3A_25] : memref<2x1x1x7168xf32, #tpu.memory_space<vmem>>, vector<1x1x1x7168xf32>
    %get3A_27 = vector.shape_cast %get3A_26 : vector<1x1x1x7168xf32> to vector<1x7168xf32>
    %add3A_28 = arith.addf %get3A_21, %get3A_27 : vector<1x7168xf32>
    %rsqrt3A = math.rsqrt %add3A_15 : vector<1x7168xf32>
    %mul3A = arith.mulf %rsqrt3A, %add3A_28 : vector<1x7168xf32>
    %get3A_29 = arith.constant 0 : index
    %get3A_30 = arith.constant 0 : index
    %get3A_31 = arith.constant 0 : index
    %get3A_32 = vector.load %arg3[%get3A_29, %get3A_30, %get3A_31] : memref<1x1x7168xf32, #tpu.memory_space<vmem>>, vector<1x1x7168xf32>
    %get3A_33 = vector.shape_cast %get3A_32 : vector<1x1x7168xf32> to vector<1x7168xf32>
    %div3A = arith.divf %get3A_33, %add3A_15 : vector<1x7168xf32>
    %add3A_34 = arith.addf %mul3A, %div3A : vector<1x7168xf32>
    %get3A_35 = arith.constant 0 : index
    %get3A_36 = arith.constant 0 : index
    %get3A_37 = arith.constant 0 : index
    %get3A_38 = vector.load %arg4[%get3A_35, %get3A_36, %get3A_37] : memref<1x1x7168xi32, #tpu.memory_space<vmem>>, vector<1x1x7168xi32>
    %get3A_39 = vector.shape_cast %get3A_38 : vector<1x1x7168xi32> to vector<1x7168xi32>
    %convert_element_type3A_40 = arith.sitofp %get3A_39 : vector<1x7168xi32> to vector<1x7168xbf16>
    %get3A_41 = arith.constant 0 : index
    %get3A_42 = arith.constant 0 : index
    %get3A_43 = vector.load %arg6[%get3A_41, %get3A_42] : memref<128x1xf32, #tpu.memory_space<vmem>>, vector<128x1xf32>
    %broadcast_in_dim3A = vector.shape_cast %get3A_43 : vector<128x1xf32> to vector<128x1xf32>
    %broadcast_in_dim3A_44 = vector.broadcast %broadcast_in_dim3A : vector<128x1xf32> to vector<128x7168xf32>
    %broadcast_in_dim3A_45 = vector.shape_cast %add3A_34 : vector<1x7168xf32> to vector<1x7168xf32>
    %broadcast_in_dim3A_46 = vector.broadcast %broadcast_in_dim3A_45 : vector<1x7168xf32> to vector<128x7168xf32>
    %mul3A_47 = arith.mulf %broadcast_in_dim3A_44, %broadcast_in_dim3A_46 : vector<128x7168xf32>
    %get3A_48 = arith.constant 0 : index
    %get3A_49 = arith.constant 0 : index
    %get3A_50 = vector.load %arg7[%get3A_48, %get3A_49] : memref<128x1xf32, #tpu.memory_space<vmem>>, vector<128x1xf32>
    %broadcast_in_dim3A_51 = vector.shape_cast %get3A_50 : vector<128x1xf32> to vector<128x1xf32>
    %broadcast_in_dim3A_52 = vector.broadcast %broadcast_in_dim3A_51 : vector<128x1xf32> to vector<128x7168xf32>
    %add3A_53 = arith.addf %mul3A_47, %broadcast_in_dim3A_52 : vector<128x7168xf32>
    %max3A = arith.constant 0.000000e+00 : f32
    %max3A_54 = vector.broadcast %max3A : f32 to vector<128x7168xf32>
    %max3A_55 = arith.maximumf %add3A_53, %max3A_54 : vector<128x7168xf32>
    %iota3A = tpu.iota {dimensions = array<i32: 0>} : vector<128x1xi32>
    %convert_element_type3A_56 = arith.sitofp %iota3A : vector<128x1xi32> to vector<128x1xbf16>
    %broadcast_in_dim3A_57 = vector.shape_cast %convert_element_type3A_56 : vector<128x1xbf16> to vector<128x1xbf16>
    %broadcast_in_dim3A_58 = vector.broadcast %broadcast_in_dim3A_57 : vector<128x1xbf16> to vector<128x7168xbf16>
    %broadcast_in_dim3A_59 = vector.shape_cast %convert_element_type3A_40 : vector<1x7168xbf16> to vector<1x7168xbf16>
    %broadcast_in_dim3A_60 = vector.broadcast %broadcast_in_dim3A_59 : vector<1x7168xbf16> to vector<128x7168xbf16>
    %eq3A_61 = arith.cmpf oeq, %broadcast_in_dim3A_58, %broadcast_in_dim3A_60 : vector<128x7168xbf16>
    %convert_element_type3A_62 = arith.extui %eq3A_61 : vector<128x7168xi1> to vector<128x7168xi32>
    %convert_element_type3A_63 = arith.sitofp %convert_element_type3A_62 : vector<128x7168xi32> to vector<128x7168xf32>
    %convert_element_type3A_64 = arith.truncf %convert_element_type3A_63 : vector<128x7168xf32> to vector<128x7168xbf16>
    %convert_element_type3A_65 = arith.truncf %max3A_55 : vector<128x7168xf32> to vector<128x7168xbf16>
    %convert_element_type3A_66 = arith.extf %convert_element_type3A_65 : vector<128x7168xbf16> to vector<128x7168xf32>
    %sub3A = arith.subf %max3A_55, %convert_element_type3A_66 : vector<128x7168xf32>
    %convert_element_type3A_67 = arith.truncf %sub3A : vector<128x7168xf32> to vector<128x7168xbf16>
    %get3A_68 = arith.constant 0 : index
    %get3A_69 = arith.constant 0 : index
    %get3A_70 = vector.load %arg17[%get3A_68, %get3A_69] : memref<128x128xf32, #tpu.memory_space<vmem>>, vector<128x128xf32>
    %dot_general3A = arith.constant dense<0.000000e+00> : vector<128x128xf32>
    %dot_general3A_71 = tpu.matmul %convert_element_type3A_64, %convert_element_type3A_65, %dot_general3A {dimension_numbers = #tpu.dot_dimension_numbers<[1], [1], [0], [0], [0, 0, 1, 0], [], []>, transpose_lhs_hint = false} : vector<128x7168xbf16>, vector<128x7168xbf16>, vector<128x128xf32> -> vector<128x128xf32>
    %dot_general3A_72 = arith.constant dense<0.000000e+00> : vector<128x128xf32>
    %dot_general3A_73 = tpu.matmul %convert_element_type3A_64, %convert_element_type3A_67, %dot_general3A_72 {dimension_numbers = #tpu.dot_dimension_numbers<[1], [1], [0], [0], [0, 0, 1, 0], [], []>, transpose_lhs_hint = false} : vector<128x7168xbf16>, vector<128x7168xbf16>, vector<128x128xf32> -> vector<128x128xf32>
    %add3A_74 = arith.addf %dot_general3A_71, %dot_general3A_73 : vector<128x128xf32>
    %add3A_75 = arith.addf %get3A_70, %add3A_74 : vector<128x128xf32>
    %swap3A = arith.constant 0 : index
    %swap3A_76 = arith.constant 0 : index
    %swap3A_77 = vector.load %arg17[%swap3A, %swap3A_76] : memref<128x128xf32, #tpu.memory_space<vmem>>, vector<128x128xf32>
    tpu.vector_store %arg17[%swap3A, %swap3A_76], %add3A_75 {strides = array<i32>} : memref<128x128xf32, #tpu.memory_space<vmem>>, vector<128x128xf32>,
    %eq3A_78 = arith.constant 6 : i32
    %eq3A_79 = arith.cmpi eq, %arg0, %eq3A_78 : i32
    %convert_element_type3A_80 = arith.extui %eq3A_79 : i1 to i32
    %cond3A_81 = arith.constant 0 : i32
    %cond3A_82 = arith.cmpi ne, %convert_element_type3A_80, %cond3A_81 : i32
    scf.if %cond3A_82 {
      %get3A_83 = arith.constant 0 : index
      %get3A_84 = arith.constant 0 : index
      %get3A_85 = vector.load %arg17[%get3A_83, %get3A_84] : memref<128x128xf32, #tpu.memory_space<vmem>>, vector<128x128xf32>
      %get3A_86 = arith.constant 0 : index
      %get3A_87 = arith.constant 0 : index
      %get3A_88 = vector.load %arg5[%get3A_86, %get3A_87] : memref<128x1xf32, #tpu.memory_space<vmem>>, vector<128x1xf32>
      %max3A_89 = arith.constant 1.000000e+00 : f32
      %max3A_90 = vector.broadcast %max3A_89 : f32 to vector<128x1xf32>
      %max3A_91 = arith.maximumf %get3A_88, %max3A_90 : vector<128x1xf32>
      %div3A_92 = vector.broadcast %max3A_91 : vector<128x1xf32> to vector<128x128xf32>
      %div3A_93 = arith.divf %get3A_85, %div3A_92 : vector<128x128xf32>
      %get3A_94 = arith.constant 0 : index
      %get3A_95 = arith.constant 0 : index
      %get3A_96 = vector.load %arg8[%get3A_94, %get3A_95] : memref<128x64xf32, #tpu.memory_space<vmem>>, vector<128x64xf32>
      %dot_general3A_97 = arith.constant dense<0.000000e+00> : vector<128x64xf32>
      %dot_general3A_98 = tpu.matmul %div3A_93, %get3A_96, %dot_general3A_97 {dimension_numbers = #tpu.dot_dimension_numbers<[1], [0], [0], [1], [0, 0, 1, 1], [], []>, precision = #tpu.contract_precision<fp32>, transpose_lhs_hint = false} : vector<128x128xf32>, vector<128x64xf32>, vector<128x64xf32> -> vector<128x64xf32>
      %get3A_99 = arith.constant 0 : index
      %get3A_100 = arith.constant 0 : index
      %get3A_101 = vector.load %arg9[%get3A_99, %get3A_100] : memref<1x64xf32, #tpu.memory_space<vmem>>, vector<1x64xf32>
      %add3A_102 = vector.broadcast %get3A_101 : vector<1x64xf32> to vector<128x64xf32>
      %add3A_103 = arith.addf %dot_general3A_98, %add3A_102 : vector<128x64xf32>
      %max3A_104 = arith.constant 0.000000e+00 : f32
      %max3A_105 = vector.broadcast %max3A_104 : f32 to vector<128x64xf32>
      %max3A_106 = arith.maximumf %add3A_103, %max3A_105 : vector<128x64xf32>
      %get3A_107 = arith.constant 0 : index
      %get3A_108 = arith.constant 0 : index
      %get3A_109 = vector.load %arg10[%get3A_107, %get3A_108] : memref<64x32xf32, #tpu.memory_space<vmem>>, vector<64x32xf32>
      %dot_general3A_110 = arith.constant dense<0.000000e+00> : vector<128x32xf32>
      %dot_general3A_111 = tpu.matmul %max3A_106, %get3A_109, %dot_general3A_110 {dimension_numbers = #tpu.dot_dimension_numbers<[1], [0], [0], [1], [0, 0, 1, 1], [], []>, precision = #tpu.contract_precision<fp32>, transpose_lhs_hint = false} : vector<128x64xf32>, vector<64x32xf32>, vector<128x32xf32> -> vector<128x32xf32>
      %get3A_112 = arith.constant 0 : index
      %get3A_113 = arith.constant 0 : index
      %get3A_114 = vector.load %arg15[%get3A_112, %get3A_113] : memref<128x1xf32, #tpu.memory_space<vmem>>, vector<128x1xf32>
      %get3A_115 = arith.constant 0 : index
      %get3A_116 = arith.constant 0 : index
      %get3A_117 = vector.load %arg11[%get3A_115, %get3A_116] : memref<1x32xf32, #tpu.memory_space<vmem>>, vector<1x32xf32>
      %mul3A_118 = vector.broadcast %get3A_114 : vector<128x1xf32> to vector<128x32xf32>
      %mul3A_119 = vector.broadcast %get3A_117 : vector<1x32xf32> to vector<128x32xf32>
      %mul3A_120 = arith.mulf %mul3A_118, %mul3A_119 : vector<128x32xf32>
      %add3A_121 = arith.addf %dot_general3A_111, %mul3A_120 : vector<128x32xf32>
      %get3A_122 = arith.constant 0 : index
      %get3A_123 = arith.constant 0 : index
      %get3A_124 = vector.load %arg12[%get3A_122, %get3A_123] : memref<1x32xf32, #tpu.memory_space<vmem>>, vector<1x32xf32>
      %add3A_125 = vector.broadcast %get3A_124 : vector<1x32xf32> to vector<128x32xf32>
      %add3A_126 = arith.addf %add3A_121, %add3A_125 : vector<128x32xf32>
      %max3A_127 = arith.constant 0.000000e+00 : f32
      %max3A_128 = vector.broadcast %max3A_127 : f32 to vector<128x32xf32>
      %max3A_129 = arith.maximumf %add3A_126, %max3A_128 : vector<128x32xf32>
      %get3A_130 = arith.constant 0 : index
      %get3A_131 = arith.constant 0 : index
      %get3A_132 = vector.load %arg13[%get3A_130, %get3A_131] : memref<32x1xf32, #tpu.memory_space<vmem>>, vector<32x1xf32>
      %dot_general3A_133 = arith.constant dense<0.000000e+00> : vector<128x1xf32>
      %dot_general3A_134 = tpu.matmul %max3A_129, %get3A_132, %dot_general3A_133 {dimension_numbers = #tpu.dot_dimension_numbers<[1], [0], [0], [1], [0, 0, 1, 1], [], []>, precision = #tpu.contract_precision<fp32>, transpose_lhs_hint = false} : vector<128x32xf32>, vector<32x1xf32>, vector<128x1xf32> -> vector<128x1xf32>
      %get3A_135 = arith.constant 0 : index
      %get3A_136 = arith.constant 0 : index
      %get3A_137 = vector.load %arg14[%get3A_135, %get3A_136] : memref<1x1xf32, #tpu.memory_space<vmem>>, vector<1x1xf32>
      %add3A_138 = vector.broadcast %get3A_137 : vector<1x1xf32> to vector<128x1xf32>
      %add3A_139 = arith.addf %dot_general3A_134, %add3A_138 : vector<128x1xf32>
      %swap3A_140 = arith.constant 0 : index
      %swap3A_141 = arith.constant 0 : index
      %swap3A_142 = vector.load %arg16[%swap3A_140, %swap3A_141] : memref<128x1xf32, #tpu.memory_space<vmem>>, vector<128x1xf32>
      tpu.vector_store %arg16[%swap3A_140, %swap3A_141], %add3A_139 {strides = array<i32>} : memref<128x1xf32, #tpu.memory_space<vmem>>, vector<128x1xf32>,
    } else {
    }
    return
  }
  func.func @transform_0(%arg0: i32) -> (i32, i32, i32, i32) {
    %c0_i32 = arith.constant 0 : i32
    %c0_i32_0 = arith.constant 0 : i32
    %c0_i32_1 = arith.constant 0 : i32
    %c0_i32_2 = arith.constant 0 : i32
    return %c0_i32, %arg0, %c0_i32_0, %c0_i32_1 : i32, i32, i32, i32
  }
  func.func @transform_1(%arg0: i32) -> (i32, i32, i32, i32) {
    %c0_i32 = arith.constant 0 : i32
    %c0_i32_0 = arith.constant 0 : i32
    %c0_i32_1 = arith.constant 0 : i32
    %c0_i32_2 = arith.constant 0 : i32
    return %c0_i32, %arg0, %c0_i32_0, %c0_i32_1 : i32, i32, i32, i32
  }
  func.func @transform_2(%arg0: i32) -> (i32, i32, i32) {
    %c0_i32 = arith.constant 0 : i32
    %c0_i32_0 = arith.constant 0 : i32
    %c0_i32_1 = arith.constant 0 : i32
    return %arg0, %c0_i32, %c0_i32_0 : i32, i32, i32
  }
  func.func @transform_3(%arg0: i32) -> (i32, i32, i32) {
    %c0_i32 = arith.constant 0 : i32
    %c0_i32_0 = arith.constant 0 : i32
    %c0_i32_1 = arith.constant 0 : i32
    return %arg0, %c0_i32, %c0_i32_0 : i32, i32, i32
  }
  func.func @transform_4(%arg0: i32) -> (i32, i32) {
    %c0_i32 = arith.constant 0 : i32
    %c0_i32_0 = arith.constant 0 : i32
    %c0_i32_1 = arith.constant 0 : i32
    return %c0_i32, %c0_i32_0 : i32, i32
  }
  func.func @transform_5(%arg0: i32) -> (i32, i32) {
    %c0_i32 = arith.constant 0 : i32
    %c0_i32_0 = arith.constant 0 : i32
    %c0_i32_1 = arith.constant 0 : i32
    return %c0_i32, %c0_i32_0 : i32, i32
  }
  func.func @transform_6(%arg0: i32) -> (i32, i32) {
    %c0_i32 = arith.constant 0 : i32
    %c0_i32_0 = arith.constant 0 : i32
    %c0_i32_1 = arith.constant 0 : i32
    return %c0_i32, %c0_i32_0 : i32, i32
  }
  func.func @transform_7(%arg0: i32) -> (i32, i32) {
    %c0_i32 = arith.constant 0 : i32
    %c0_i32_0 = arith.constant 0 : i32
    %c0_i32_1 = arith.constant 0 : i32
    return %c0_i32, %c0_i32_0 : i32, i32
  }
  func.func @transform_8(%arg0: i32) -> (i32, i32) {
    %c0_i32 = arith.constant 0 : i32
    %c0_i32_0 = arith.constant 0 : i32
    %c0_i32_1 = arith.constant 0 : i32
    return %c0_i32, %c0_i32_0 : i32, i32
  }
  func.func @transform_9(%arg0: i32) -> (i32, i32) {
    %c0_i32 = arith.constant 0 : i32
    %c0_i32_0 = arith.constant 0 : i32
    %c0_i32_1 = arith.constant 0 : i32
    return %c0_i32, %c0_i32_0 : i32, i32
  }
  func.func @transform_10(%arg0: i32) -> (i32, i32) {
    %c0_i32 = arith.constant 0 : i32
    %c0_i32_0 = arith.constant 0 : i32
    %c0_i32_1 = arith.constant 0 : i32
    return %c0_i32, %c0_i32_0 : i32, i32
  }
  func.func @transform_11(%arg0: i32) -> (i32, i32) {
    %c0_i32 = arith.constant 0 : i32
    %c0_i32_0 = arith.constant 0 : i32
    %c0_i32_1 = arith.constant 0 : i32
    return %c0_i32, %c0_i32_0 : i32, i32
  }
  func.func @transform_12(%arg0: i32) -> (i32, i32) {
    %c0_i32 = arith.constant 0 : i32
    %c0_i32_0 = arith.constant 0 : i32
    %c0_i32_1 = arith.constant 0 : i32
    return %c0_i32, %c0_i32_0 : i32, i32
  }
  func.func @transform_13(%arg0: i32) -> (i32, i32) {
    %c0_i32 = arith.constant 0 : i32
    %c0_i32_0 = arith.constant 0 : i32
    %c0_i32_1 = arith.constant 0 : i32
    return %c0_i32, %c0_i32_0 : i32, i32
  }
  func.func @transform_14(%arg0: i32) -> (i32, i32) {
    %c0_i32 = arith.constant 0 : i32
    %c0_i32_0 = arith.constant 0 : i32
    %c0_i32_1 = arith.constant 0 : i32
    return %c0_i32, %c0_i32_0 : i32, i32
  }
  func.func @transform_15(%arg0: i32) -> (i32, i32) {
    %c0_i32 = arith.constant 0 : i32
    %c0_i32_0 = arith.constant 0 : i32
    %c0_i32_1 = arith.constant 0 : i32
    return %c0_i32, %c0_i32_0 : i32, i32
  }
}

</mosaic_0001>

<sc_bundles>
// kernel: kernel.5.cloned.1.call-start
scs
__scs_entry_jumppad:
0x0: {  	(pc) =	sbr.rel $0x88, $3  }
0x1: {  	(tag) =	ssettag $0x0;
	lr =	simm.s32 $0x1  }
0x2: {  	[smem:$0x3F95] =	sst lr;
	_ =	strace $0xD0000000  }
0x3: {  	_ = 	snop  }
0x4: {  	_ = 	snop  }
0x5: {  	_ = 	snop  }
0x6: {  	_ = 	snop  }
0x7: {  	_ = 	snop  }
__scs_overlays_trampoline_lowered:
0x8: {  	[smem:$0x3FA4] =	sst s0  }
0x9: {  	[smem:$0x3FA5] =	sst s1  }
0xa: {  	[smem:$0x3FA6] =	sst s2  }
0xb: {  	[smem:$0x3FA7] =	sst s3  }
0xc: {  	[smem:$0x3FA8] =	sst s4  }
0xd: {  	[smem:$0x3FA9] =	sst s5  }
0xe: {  	[smem:$0x3FAA] =	sst s6  }
0xf: {  	[smem:$0x3FAB] =	sst s7  }
0x10: {  	[smem:$0x3FAC] =	sst s8  }
0x11: {  	[smem:$0x3FAD] =	sst s9;
	s0 =	simm.s32 @!p0 $0x0  }
0x12: {  	s1 =	sld [smem:$0x3F93];
	s0 =	simm.s32 @p0 $0x1  }
0x13: {  	[smem:$0x3FAE] =	sst s0;
	s0 =	simm.s32 @!p1 $0x0  }
0x14: {  	s2 =	sld [smem:$0x3F92];
	s0 =	simm.s32 @p1 $0x1  }
0x15: {  	[smem:$0x3FAF] =	sst s0;
	s0 =	simm.s32 @!p2 $0x0  }
0x16: {  	s3 =	sld [smem:$0x3FDB];
	s0 =	simm.s32 @p2 $0x1  }
0x17: {  	s4 =	simm.s32 $0x1BF5;
	[smem:$0x3FB1] =	sst s0  }
0x18: {  	s0 =	sld [smem:$0x3F94];
	_ =	swait.ge [sflag:s4], $0x0  }
0x19: {  	s7 =	sld [smem:$0x3F95]  }
0x1a: {  	s8 =	sadd.s32 $0xFFFFE003, lr  }
0x1b: {  	s9 =	sadd.s32 $0xFFFFFEF7, lr;
	s5 =	simm.s32 $0xFFFFFFFF;
	p2 =	slt.u32 s8, $0xFFFFF086  }
0x1c: {  	p1 =	slt.u32 s9, $0xF7A;
	s5 =	simm.s32 @!p2 $0x0  }
0x1d: {  	s5 =	simm.s32 @p1 $0x1;
	p0 =	seq.s32 s7, s2  }
0x1e: {  	s7 =	smul.u32 @!p0 $0xF7A, s2;
	p2 =	seq.s32 @!p0 s5, $0x0  }
0x1f: {  	s9 =	smul.u32 $0xF7A, s1;
	s8 =	simm.s32 @!p0 $0x1BF5;
	p2 =	por !p2, p0  }
0x20: {  	[sflag:s8] =	ssyncset.s32 @!p0 $0xFFFFF086;
	s6 =	sadd.s32 @!p0 s3, s7;
	s7 =	simm.s32 @!p0 $0x108  }
0x21: {  	s3 =	sadd.s32 s3, s9;
	s6 =	sadd.s32 @!p0 $0x88, s6;
	s7 =	simm.s32 @p2 $0x1082  }
0x22: {  	[simem:s7], [sflag:s8] =	dma.local @!p0 [hbm:s6], $0xF7A  }
0x23: {  	s9 =	sor.u32 $0xD0000000, s2;
	s6 =	simm.s32 $0x108;
	_ =	swait.ge @!p0 [sflag:s8], $0x0  }
0x24: {  	s3 =	sadd.s32 $0x88, s3;
	s6 =	simm.s32 @!p1 $0x1082;
	[sflag:s4] =	ssyncset.s32 $0xFFFFF086  }
0x25: {  	[simem:s6], [sflag:s4] =	dma.local [hbm:s3], $0xF7A  }
0x26: {  	[smem:$0x3F95] =	sst s1;
	(tag) =	ssettag s2;
	_ =	strace s9  }
0x27: {  	s1 =	sld [smem:$0x3FA5]  }
0x28: {  	s2 =	sld [smem:$0x3FA6]  }
0x29: {  	s4 =	sld [smem:$0x3FA8]  }
0x2a: {  	p0 =	seq.s32 s5, $0x0;
	s5 =	sld [smem:$0x3FA9]  }
0x2b: {  	s6 =	sld [smem:$0x3FAA]  }
0x2c: {  	s7 =	sld [smem:$0x3FAB]  }
0x2d: {  	s3 =	simm.s32 $0x108;
	s8 =	sld [smem:$0x3FAC]  }
0x2e: {  	s3 =	simm.s32 @!p0 $0x1082;
	s9 =	sld [smem:$0x3FAD]  }
0x2f: {  	lr =	sadd.s32 s0, s3;
	s0 =	sld [smem:$0x3FA4]  }
0x30: {  	s3 =	sld [smem:$0x3FA7]  }
0x31: {  	[smem:$0x3FB0] =	sst s10  }
0x32: {  	s10 =	sld [smem:$0x3FAE];
	_ =	sdelay $0x3  }
0x33: {  	p0 =	seq.s32 s10, $0x1;
	s10 =	sld [smem:$0x3FB0];
	_ =	sdelay $0x3  }
0x34: {  	[smem:$0x3FB0] =	sst s10  }
0x35: {  	s10 =	sld [smem:$0x3FAF];
	_ =	sdelay $0x3  }
0x36: {  	p1 =	seq.s32 s10, $0x1;
	s10 =	sld [smem:$0x3FB0];
	_ =	sdelay $0x3  }
0x37: {  	[smem:$0x3FB0] =	sst s10  }
0x38: {  	s10 =	sld [smem:$0x3FB1]  }
0x39: {  	_ = 	snop;
	(pc) =	sbr.ind lr, $3  }
0x3a: {  	_ = 	snop  }
0x3b: {  	_ = 	snop  }
0x3c: {  	p2 =	seq.s32 s10, $0x1;
	s10 =	sld [smem:$0x3FB0]  }
0x3d: {  	_ =	shalt  }
0x3e: {  	_ =	shalt  }
0x3f: {  	_ =	shalt  }
0x40: {  	_ =	shalt  }
0x41: {  	_ =	shalt  }
0x42: {  	_ =	shalt  }
0x43: {  	_ =	shalt  }
0x44: {  	_ =	shalt  }
0x45: {  	_ =	shalt  }
0x46: {  	_ =	shalt  }
0x47: {  	_ =	shalt  }
0x48: {  	_ =	shalt  }
0x49: {  	_ =	shalt  }
0x4a: {  	_ =	shalt  }
0x4b: {  	_ =	shalt  }
0x4c: {  	_ =	shalt  }
0x4d: {  	_ =	shalt  }
0x4e: {  	_ =	shalt  }
0x4f: {  	_ =	shalt  }
0x50: {  	_ =	shalt  }
0x51: {  	_ =	shalt  }
0x52: {  	_ =	shalt  }
0x53: {  	_ =	shalt  }
0x54: {  	_ =	shalt  }
0x55: {  	_ =	shalt  }
0x56: {  	_ =	shalt  }
0x57: {  	_ =	shalt  }
0x58: {  	_ =	shalt  }
0x59: {  	_ =	shalt  }
0x5a: {  	_ =	shalt  }
0x5b: {  	_ =	shalt  }
0x5c: {  	_ =	shalt  }
0x5d: {  	_ =	shalt  }
0x5e: {  	_ =	shalt  }
0x5f: {  	_ =	shalt  }
0x60: {  	_ =	shalt  }
0x61: {  	_ =	shalt  }
0x62: {  	_ =	shalt  }
0x63: {  	_ =	shalt  }
0x64: {  	_ =	shalt  }
0x65: {  	_ =	shalt  }
0x66: {  	_ =	shalt  }
0x67: {  	_ =	shalt  }
0x68: {  	_ =	shalt  }
0x69: {  	_ =	shalt  }
0x6a: {  	_ =	shalt  }
0x6b: {  	_ =	shalt  }
0x6c: {  	_ =	shalt  }
0x6d: {  	_ =	shalt  }
0x6e: {  	_ =	shalt  }
0x6f: {  	_ =	shalt  }
0x70: {  	_ =	shalt  }
0x71: {  	_ =	shalt  }
0x72: {  	_ =	shalt  }
0x73: {  	_ =	shalt  }
0x74: {  	_ =	shalt  }
0x75: {  	_ =	shalt  }
0x76: {  	_ =	shalt  }
0x77: {  	_ =	shalt  }
0x78: {  	_ =	shalt  }
0x79: {  	_ =	shalt  }
0x7a: {  	_ =	shalt  }
0x7b: {  	_ =	shalt  }
0x7c: {  	_ =	shalt  }
0x7d: {  	_ =	shalt  }
0x7e: {  	_ =	shalt  }
0x7f: {  	_ =	shalt  }
0x80: {  	_ =	shalt  }
0x81: {  	_ =	shalt  }
0x82: {  	_ =	shalt  }
0x83: {  	_ =	shalt  }
0x84: {  	_ =	shalt  }
0x85: {  	_ =	shalt  }
0x86: {  	_ =	shalt  }
0x87: {  	_ =	shalt  }
.Lfunc_end0:
.L_simem_size_0:
called_computation_lowered:
.L_overlay_start_0:
0x88: {  	s2 =	sld [smem:$0x3FD9]  }
0x89: {  	s3 =	sld [smem:$0x3FFE];
	_ =	sdelay $0x1  }
0x8a: {  	s1 =	srdreg.scid  }
0x8b: {  	s0 =	sand.u32 $0x1, s1  }
0x8c: {  	s16 =	sshll.u32 s0, $0xA;
	s2 =	sadd.s32 s3, s2  }
0x8d: {  	s2 =	sadd.s32 s2, s16  }
0x8e: {  	[smem:$0x3FBC] =	sst s2  }
0x8f: {  	_ = 	snop  }
0x90: {  	(tm) =	ssettm $0x1  }
0x91: {  	s17 =	sld [smem:$0x3FFB];
	_ =	sdelay $0x3  }
0x92: {  	_ =	strace s17  }
0x93: {  	s2 =	sld [smem:$0x3FFC];
	_ =	sdelay $0x3  }
0x94: {  	_ =	strace s2  }
0x95: {  	s2 =	sld [smem:$0x3FFD];
	_ =	sdelay $0x3  }
0x96: {  	_ =	strace s2  }
0x97: {  	_ =	strace $0x8FFFFFFF  }
0x98: {  	s18 =	sld [smem:$0x3FDB];
	_ =	sdelay $0x1  }
0x99: {  	s19 =	simm.s32 $_scs_section_size  }
0x9a: {  	s4 =	simm.s32 $_size__tile_overlayer_lowered;
	s5 =	simm.s32 $_tile_overlayer_lowered  }
0x9b: {  	s22 =	simm.s32 $0x1BFF;
	s21 =	sshll.u32 s5, $0x1;
	s2 =	sadd.s32 s19, s18  }
0x9c: {  	s6 =	simm.s32 $0x0;
	s20 =	sshll.u32 s4, $0x1;
	s4 =	sadd.s32 s21, s2  }
0x9d: {  	[timem:s6], [sflag:s22] =	dma.local [hbm:s4], s20  }
0x9e: {  	_ =	swait.ge [sflag:s22], s20  }
0x9f: {  	s3 =	ssub.s32 $0x0, s20;
	[sflag:s22] =	ssyncset.done $0x0  }
0xa0: {  	[sflag:s22] =	ssyncadd.s32 s3;
	_ =	sdelay $0x1  }
0xa1: {  	s23 =	simm.s32 $0x1B8B  }
0xa2: {  	_ =	swait.ge [sflag:s23], $0x1  }
0xa3: {  	[sflag:s23] =	ssyncset.done $0x0  }
0xa4: {  	s25 =	simm.s32 $0x1B8E;
	s24 =	sld [smem:$0x3FFE];
	[sflag:s23] =	ssyncadd.s32 $0xFFFFFFFF  }
0xa5: {  	s26 =	simm.s32 $execute0_lowered;
	[smem:$0x3FD2] =	sst s25  }
0xa6: {  	s4 =	sshll.u32 s26, $0x1;
	_ =	strace $0x80000046;
	[dreg:$0x1] =	wrdreg $0xFFFFFFFF  }
0xa7: {  	s28 =	simm.s32 $_size_execute0_lowered;
	s2 =	sadd.s32 s2, s4;
	[dreg:$0x0] =	wrdreg $0x0  }
0xa8: {  	s4 =	sshll.u32 s28, $0x1;
	[dreg:$0x2] =	wrdreg s2  }
0xa9: {  	[dreg:$0x3] =	wrdreg s4  }
0xaa: {  	[dreg:$0x4] =	wrdreg $0xC0  }
0xab: {  	_ =	task [dreg:s6], $0x5FFFF  }
0xac: {  	[dreg:$0x1] =	wrdreg $0xFFFFFFFF  }
0xad: {  	[dreg:$0x0] =	wrdreg $0x60  }
0xae: {  	[dreg:$0x2] =	wrdreg s24  }
0xaf: {  	[dreg:$0x3] =	wrdreg $0x70C00  }
0xb0: {  	[dreg:$0x4] =	wrdreg $0x7D000  }
0xb1: {  	[dreg:$0x5] =	wrdreg $0x9  }
0xb2: {  	_ =	task.clear_ibuf [dreg:s6], $0x6FFFF;
	_ =	strace $0x90000046  }
0xb3: {  	s29 =	simm.s32 $0x9;
	_ =	strace $0x80000048  }
0xb4: {  	_ =	swait.ge [sflag:s29], $0x1  }
0xb5: {  	[sflag:s29] =	ssyncadd.s32 $0xFFFFFFFF  }
0xb6: {  	_ =	strace $0x90000048  }
0xb7: {  	_ =	sfence  }
0xb8: {  	s30 =	sld [smem:$0x0];
	_ =	sdelay $0x2  }
0xb9: {  	s31 =	sshll.u32 s1, $0xD;
	s1 =	sshrl.u32 s1, $0x2  }
0xba: {  	s3 =	sand.u32 $0x4000, s31;
	s1 =	sadd.s32 s1, s30  }
0xbb: {  	s0 =	sor.u32 s3, s0;
	s1 =	sshll.u32 s1, $0x11  }
0xbc: {  	s0 =	sor.u32 s1, s0  }
0xbd: {  	s0 =	sadd.s32 $0x8F2B, s0  }
0xbe: {  	[sflag:s0] =	ssyncadd.remote.s32 $0x1  }
0xbf: {  	_ =	sfence.sel $0xFFFF  }
0xc0: {  	[dreg:$0x0] =	wrdreg $0xFFFFFFFF;
	(pc) =	sbr.abs _section_cstart, $3  }
0xc1: {  	[dreg:$0x1] =	wrdreg $0xFFFFFFFF  }
0xc2: {  	_ =	task.clear_ibuf [dreg:s6], $0x2FFFF;
	_ =	strace $0x9FFFFFFF  }
0xc3: {  	(tm) =	ssettm $0x7FFFFFFF  }
tec
execute0_lowered:
.L_overlay_start_1:
0x0: {  	(tag) =	ssettag $0x1  }
0x1: {  	s10 =	rddreg [dreg:$0x0]  }
0x2: {  	s2 =	rddreg [dreg:$0x1]  }
0x3: {  	s3 =	rddreg [dreg:$0x2]  }
0x4: {  	s0 =	rddreg [dreg:$0x3];
	s1 =	stileid.u32  }
0x5: {  	s5 =	srdreg.scid;
	s4 =	simm.s32 $0x0;
	s15 =	simm.s32 $0x2  }
0x6: {  	s17 =	simm.s32 $0x6400;
	s18 =	simm.s32 $0x1;
	s6 =	smul.u32 $0xC40, s1  }
0x7: {  	s19 =	sand.u32 $0x1, s5;
	[smem:$0x7FF] =	sst s4;
	s8 =	smul.u32 $0x180, s1  }
0x8: {  	p1 =	sne.s32 s1, $0xF;
	p2 =	seq.s32 s1, $0xF;
	s5 =	smul.u32 $0xC400, s19  }
0x9: {  	_ =	strace $0x80000047;
	s7 =	sshll.u32 s19, $0x4;
	s29 =	ssub.s32 $0x2, s19  }
0xa: {  	p0 =	seq.s32 s19, $0x0;
	s14 =	sor.u32 s1, s19;
	p4 =	sne.s32 s19, $0x0  }
0xb: {  	s19 =	simm.s32 $0x0;
	s16 =	sor.u32 s1, s7;
	s11 =	sadd.s32 s8, s10  }
0xc: {  	s30 =	sshrl.u32 s29, $0x1;
	s8 =	sadd.s32 $0x32A20, s10;
	p2 =	por !p0, !p2  }
0xd: {  	s5 =	sadd.s32 s6, s5;
	s9 =	smul.u32 $0x6400, s16;
	s13 =	ssub.s32 s29, s30  }
0xe: {  	s6 =	sadd.s32 s6, s2;
	s11 =	sadd.s32 $0x32E00, s11;
	p3 =	seq.s32 s16, $0x1F  }
0xf: {  	s16 =	simm.s32 $0x80;
	s5 =	sshrl.u32 s5, $0x3;
	s13 =	smax.u32 s13, $0x1  }
.Ltmp0:
0x10: {  	s12 =	sadd.s32 s5, s10;
	s31 =	sshrl.u32 s9, $0x3;
	(pc) =	sbr.rel .LBB2_1-.Ltmp0, $4  }
0x11: {  	s5 =	sadd.s32 $0x34800, s10;
	s9 =	simm.s32 $0x18;
	s7 =	sadd.s32 s10, s31  }
0x12: {  	s9 =	simm.s32 @!p1 $0x20;
	p1 =	por !p0, !p1;
	s10 =	sadd.s32 $0x34480, s10  }
0x13: {  	s12 =	sadd.s32 $0x34A00, s12;
	s7 =	sadd.s32 $0x1A6A0, s7;
	p0 =	por !p1, !p1  }
0x14: {  	v0 =	vimm.f32 $0.0e+00;
	v1 =	vimm.f32 $1.000000000e+00;
	p1 =	por !p2, !p2;
	p2 =	sne.s32 s14, $0x0;
	s14 =	simm.s32 $0x6480  }
.LBB2_16:
0x15: {  	[sflag:s18] =	ssyncadd.s32 $0xFFFFFF80  }
.LBB2_17:
0x16: {  	[bflag:$0x0] =	sbarrier.arrive $0xFFFF  }
0x17: {  	[tilespmem:s14], [sflag:$0x2] =	stream.linear.gather [spmem:s6], $0xC40, $0x38;
	[tilespmem:$0x7D10] =	vst v63  }
0x18: {  	_ =	swait.ge [sflag:s15], $0xC40  }
0x19: {  	[sflag:s15] =	ssyncset.done $0x0  }
0x1a: {  	[sflag:s15] =	ssyncadd.s32 $0xFFFFF3C0  }
0x1b: {  	[hbm4b:s12+s4] =	stream.linear.scatter [tilespmem:s14], [sflag:$0x2], $0xC40, $0x38;
	[tilespmem:$0x7D10] =	vst v63  }
0x1c: {  	_ =	swait.ge [sflag:s15], $0xC40  }
0x1d: {  	[sflag:s15] =	ssyncset.done $0x0  }
0x1e: {  	s20 =	simm.s32 @!p2 $0x6480;
	s21 =	simm.s32 @!p2 $0x2;
	[sflag:s15] =	ssyncadd.s32 $0xFFFFF3C0  }
0x1f: {  	[tilespmem:s20], [sflag:$0x2] =	stream.linear.gather @!p2 [spmem:s3], $0x100, $0x38;
	[tilespmem:$0x7D10] =	vst v63  }
0x20: {  	s19 =	sadd.s32 $0x1, s19;
	_ =	swait.ge @!p2 [sflag:s21], $0x100  }
0x21: {  	p5 =	sne.s32 s19, s13;
	[sflag:s21] =	ssyncset.done @!p2 $0x0  }
.Ltmp1:
0x22: {  	s22 =	simm.s32 @!p2 $0x0;
	[sflag:s21] =	ssyncadd.s32 @!p2 $0xFFFFFF00;
	(pc) =	sbr.rel @!p5 .LBB2_18-.Ltmp1, $4  }
0x23: {  	[hbm4b:s5+s22] =	stream.linear.scatter @!p2 [tilespmem:s20], [sflag:$0x2], $0x100, $0x38;
	[tilespmem:$0x7D10] =	vst v63  }
0x24: {  	_ =	swait.ge @!p2 [sflag:s21], $0x100  }
0x25: {  	[sflag:s21] =	ssyncset.done @!p2 $0x0  }
0x26: {  	[sflag:s21] =	ssyncadd.s32 @!p2 $0xFFFFFF00  }
.LBB2_1:
0x27: {  	s20 =	simm.s32 $0x40;
	s21 =	simm.s32 $0x0  }
.LBB2_2:
0x28: {  	p5 =	sne.s32 s20, $0x30C0;
	[tilespmem:s21+$0x6480] =	vst v0;
	s21 =	smov.u32 s20;
	s20 =	sadd.s32 $0x40, s20  }
.Ltmp2:
0x29: {  	(pc) =	sbr.rel @p5 .LBB2_2-.Ltmp2, $2  }
0x2a: {  	_ =	sdelay $0x2  }
0x2b: {  	s21 =	sshra.s32 s21, $0x2  }
0x2c: {  	[tilespmem:s21+$0x6480] =	vst v0  }
0x2d: {  	[spmem:s6] =	stream.linear.scatter [tilespmem:s14], [sflag:$0x2], $0xC40, $0x38;
	[tilespmem:$0x7D10] =	vst v63  }
0x2e: {  	_ =	swait.ge [sflag:s15], $0xC40  }
0x2f: {  	[sflag:s15] =	ssyncset.done $0x0  }
0x30: {  	s20 =	simm.s32 @!p2 $0x6480;
	[sflag:s15] =	ssyncadd.s32 $0xFFFFF3C0  }
0x31: {  	[spmem:s3] =	stream.linear.scatter @!p2 [tilespmem:s20], [sflag:$0x2], $0x100, $0x38;
	[tilespmem:$0x7D10] =	vst v63  }
0x32: {  	s20 =	simm.s32 @!p2 $0x2  }
0x33: {  	_ =	swait.ge @!p2 [sflag:s20], $0x100  }
0x34: {  	[sflag:s20] =	ssyncset.done @!p2 $0x0  }
0x35: {  	[sflag:s20] =	ssyncadd.s32 @!p2 $0xFFFFFF00  }
0x36: {  	[tilespmem:$0x6400] =	vst v1  }
0x37: {  	[tilespmem:$0x6410] =	vst v1  }
0x38: {  	[tilespmem:$0x6420] =	vst v1  }
0x39: {  	[tilespmem:$0x6430] =	vst v1  }
0x3a: {  	[tilespmem:$0x6440] =	vst v1  }
0x3b: {  	[tilespmem:$0x6450] =	vst v1  }
0x3c: {  	[tilespmem:$0x6460] =	vst v1  }
0x3d: {  	[tilespmem:$0x6470] =	vst v1  }
0x3e: {  	s20 =	simm.s32 @p3 $0x0;
	[bflag:$0x0] =	sbarrier.arrive $0xFFFF  }
0x3f: {  	[tilespmem:s20], [sflag:$0x2] =	stream.linear.gather @p3 [hbm4b:s8+s20], $0x1900, $0x38;
	[tilespmem:$0x7D10] =	vst v63  }
0x40: {  	s20 =	simm.s32 @p3 $0x2  }
0x41: {  	_ =	swait.ge @p3 [sflag:s20], $0x1900  }
0x42: {  	[sflag:s20] =	ssyncset.done @p3 $0x0  }
0x43: {  	[sflag:s20] =	ssyncadd.s32 @p3 $0xFFFFE700;
	s20 =	simm.s32 @!p3 $0x0  }
0x44: {  	[tilespmem:s20], [sflag:$0x2] =	stream.linear.gather @!p3 [hbm4b:s7+s20], $0x6400, $0x38;
	[tilespmem:$0x7D10] =	vst v63  }
0x45: {  	s20 =	simm.s32 @!p3 $0xC8  }
0x46: {  	s20 =	simm.s32 @p3 $0x32  }
0x47: {  	p5 =	sne.s32 s20, $0x1  }
.Ltmp3:
0x48: {  	s21 =	simm.s32 @!p3 $0x2;
	(pc) =	sbr.rel @!p5 .LBB2_5-.Ltmp3, $4  }
0x49: {  	_ =	swait.ge @!p3 [sflag:s21], $0x6400  }
0x4a: {  	[sflag:s21] =	ssyncset.done @!p3 $0x0  }
0x4b: {  	s22 =	sadd.s32 $0xFFFFFFFF, s20;
	[sflag:s21] =	ssyncadd.s32 @!p3 $0xFFFF9C00;
	s21 =	simm.s32 $0x0  }
0x4c: {  	[spmem:s2] =	stream.indirect.scatter.add.f32 [tilespmem:s17], [sflag:$0x1], $0x1, s21, s16, $0xb8;
	[tilespmem:$0x7D10] =	vst v63  }
.LBB2_4:
0x4d: {  	p6 =	sne.s32 s22, $0x1  }
.Ltmp4:
0x4e: {  	_ = 	snop;
	(pc) =	sbr.rel @p6 .LBB2_4-.Ltmp4, $3  }
0x4f: {  	_ = 	snop  }
0x50: {  	s22 =	sadd.s32 $0xFFFFFFFF, s22;
	s21 =	sadd.s32 $0x80, s21;
	_ =	sdelay $0x1  }
0x51: {  	[spmem:s2] =	stream.indirect.scatter.add.f32 [tilespmem:s17], [sflag:$0x1], $0x1, s21, s16, $0xb8;
	[tilespmem:$0x7D10] =	vst v63  }
.LBB2_5:
.Ltmp5:
0x52: {  	(pc) =	sbr.rel @!p5 .LBB2_7-.Ltmp5, $3  }
0x53: {  	_ =	sdelay $0x1  }
0x54: {  	_ =	swait.ge [sflag:s18], $0x80  }
0x55: {  	s20 =	sadd.s32 $0xFFFFFFFF, s20;
	[sflag:s18] =	ssyncset.done $0x0  }
.LBB2_6:
0x56: {  	p5 =	sne.s32 s20, $0x1;
	s20 =	sadd.s32 $0xFFFFFFFF, s20;
	[sflag:s18] =	ssyncadd.s32 $0xFFFFFF80  }
.Ltmp6:
0x57: {  	(pc) =	sbr.rel @p5 .LBB2_6-.Ltmp6, $3  }
0x58: {  	_ =	sdelay $0x1  }
0x59: {  	_ =	swait.ge [sflag:s18], $0x80  }
0x5a: {  	[sflag:s18] =	ssyncset.done $0x0  }
.LBB2_7:
.Ltmp7:
0x5b: {  	(pc) =	sbr.rel @!p0 .LBB2_9-.Ltmp7, $2  }
0x5c: {  	_ =	sdelay $0x2  }
0x5d: {  	[sflag:s18] =	ssyncadd.s32 $0xFFFFFF80  }
.Ltmp8:
0x5e: {  	(pc) =	sbr.rel .LBB2_12-.Ltmp8, $4  }
0x5f: {  	[tilespmem:s4], [sflag:$0x2] =	stream.linear.gather [hbm4b:s11+s4], $0xC00, $0x38;
	[tilespmem:$0x7D10] =	vst v63  }
0x60: {  	_ =	swait.ge [sflag:s15], $0xC00  }
0x61: {  	[sflag:s15] =	ssyncset.done $0x0  }
0x62: {  	[sflag:s15] =	ssyncadd.s32 $0xFFFFF400  }
.LBB2_9:
.Ltmp9:
0x63: {  	(pc) =	sbr.rel @!p1 .LBB2_11-.Ltmp9, $1  }
0x64: {  	_ =	sdelay $0x3  }
.Ltmp10:
0x65: {  	(pc) =	sbr.rel .LBB2_12-.Ltmp10, $4  }
0x66: {  	[tilespmem:s4], [sflag:$0x2] =	stream.linear.gather [hbm4b:s10+s4], $0x1000, $0x38;
	[tilespmem:$0x7D10] =	vst v63  }
0x67: {  	_ =	swait.ge [sflag:s15], $0x1000  }
0x68: {  	[sflag:s15] =	ssyncset.done $0x0  }
0x69: {  	[sflag:s15] =	ssyncadd.s32 $0xFFFFF000  }
.LBB2_11:
.Ltmp11:
0x6a: {  	(pc) =	sbr.rel @p4 .LBB2_17-.Ltmp11, $1  }
0x6b: {  	_ =	sdelay $0x3  }
.LBB2_12:
0x6c: {  	p5 =	sne.s32 s9, $0x1  }
.Ltmp12:
0x6d: {  	_ = 	snop;
	(pc) =	sbr.rel @!p5 .LBB2_14-.Ltmp12, $3  }
0x6e: {  	_ =	sdelay $0x1  }
0x6f: {  	s20 =	simm.s32 $0x0;
	s21 =	sadd.s32 $0xFFFFFFFF, s9  }
0x70: {  	[spmem:s3] =	stream.indirect.scatter.add.f32 [tilespmem:s17], [sflag:$0x1], $0x1, s20, s16, $0xb8;
	[tilespmem:$0x7D10] =	vst v63  }
.LBB2_13:
0x71: {  	p6 =	sne.s32 s21, $0x1  }
.Ltmp13:
0x72: {  	_ = 	snop;
	(pc) =	sbr.rel @p6 .LBB2_13-.Ltmp13, $3  }
0x73: {  	_ = 	snop  }
0x74: {  	s21 =	sadd.s32 $0xFFFFFFFF, s21;
	s20 =	sadd.s32 $0x80, s20;
	_ =	sdelay $0x1  }
0x75: {  	[spmem:s3] =	stream.indirect.scatter.add.f32 [tilespmem:s17], [sflag:$0x1], $0x1, s20, s16, $0xb8;
	[tilespmem:$0x7D10] =	vst v63  }
.LBB2_14:
.Ltmp14:
0x76: {  	(pc) =	sbr.rel @!p5 .LBB2_16-.Ltmp14, $3  }
0x77: {  	_ =	sdelay $0x1  }
0x78: {  	_ =	swait.ge [sflag:s18], $0x80  }
0x79: {  	s20 =	sadd.s32 $0xFFFFFFFF, s9;
	[sflag:s18] =	ssyncset.done $0x0  }
.LBB2_15:
0x7a: {  	p5 =	sne.s32 s20, $0x1;
	s20 =	sadd.s32 $0xFFFFFFFF, s20;
	[sflag:s18] =	ssyncadd.s32 $0xFFFFFF80  }
.Ltmp15:
0x7b: {  	(pc) =	sbr.rel @p5 .LBB2_15-.Ltmp15, $3  }
0x7c: {  	_ =	sdelay $0x1  }
0x7d: {  	_ =	swait.ge [sflag:s18], $0x80  }
0x7e: {  	[sflag:s18] =	ssyncset.done $0x0  }
.Ltmp16:
0x7f: {  	_ = 	snop;
	(pc) =	sbr.rel .LBB2_16-.Ltmp16, $1  }
0x80: {  	_ =	sdelay $0x3  }
.LBB2_18:
0x81: {  	_ =	sfence.sel $0x180000  }
0x82: {  	[bflag:$0x0] =	sbarrier.arrive $0xFFFF  }
0x83: {  	p0 =	sne.s32 s1, $0x0;
	_ =	strace $0x90000047  }
0x84: {  	s0 =	sadd.s32 @!p0 $0x100000, s0;
	[bflag:$0x2] =	sbarrier.arrive $0xFFFF  }
0x85: {  	[sflag:s0] =	ssyncadd.tile.s32 @!p0 $0x1;
	_ =	shalt  }
.Lfunc_end2:
_tile_overlayer_lowered:
.L_overlay_start_2:
0x86: {  	(tag) =	ssettag $0x2  }
0x87: {  	s0 =	rddreg [dreg:$0x0];
	s2 =	stileid.u32  }
0x88: {  	s1 =	rddreg [dreg:$0x1];
	p0 =	sne.s32 s2, $0x0  }
0x89: {  	s3 =	rddreg [dreg:$0x2];
	[bflag:$0x3] =	sbarrier.arrive $0xFFFF;
	s2 =	simm.s32 @!p0 $0x1C02  }
0x8a: {  	[timem:s3], [sflag:s2] =	dma.local @!p0 [hbm:s0], s1  }
0x8b: {  	s0 =	simm.s32 @!p0 $0x2  }
0x8c: {  	_ =	swait.ge @!p0 [sflag:s0], s1  }
0x8d: {  	s1 =	ssub.s32 @!p0 $0x0, s1;
	[sflag:s0] =	ssyncset.done @!p0 $0x0  }
0x8e: {  	[sflag:s0] =	ssyncadd.s32 @!p0 s1  }
0x8f: {  	[bflag:$0x3] =	sbarrier.arrive $0xFFFF  }
0x90: {  	_ =	shalt  }

// kernel: kernel.8.cloned.1.call-start
scs
__scs_entry_jumppad:
0x0: {  	(pc) =	sbr.rel $0x88, $3  }
0x1: {  	(tag) =	ssettag $0x0;
	lr =	simm.s32 $0x1  }
0x2: {  	[smem:$0x3F95] =	sst lr;
	_ =	strace $0xD0000000  }
0x3: {  	_ = 	snop  }
0x4: {  	_ = 	snop  }
0x5: {  	_ = 	snop  }
0x6: {  	_ = 	snop  }
0x7: {  	_ = 	snop  }
__scs_overlays_trampoline_lowered:
0x8: {  	[smem:$0x3FA4] =	sst s0  }
0x9: {  	[smem:$0x3FA5] =	sst s1  }
0xa: {  	[smem:$0x3FA6] =	sst s2  }
0xb: {  	[smem:$0x3FA7] =	sst s3  }
0xc: {  	[smem:$0x3FA8] =	sst s4  }
0xd: {  	[smem:$0x3FA9] =	sst s5  }
0xe: {  	[smem:$0x3FAA] =	sst s6  }
0xf: {  	[smem:$0x3FAB] =	sst s7  }
0x10: {  	[smem:$0x3FAC] =	sst s8  }
0x11: {  	[smem:$0x3FAD] =	sst s9;
	s0 =	simm.s32 @!p0 $0x0  }
0x12: {  	s1 =	sld [smem:$0x3F93];
	s0 =	simm.s32 @p0 $0x1  }
0x13: {  	[smem:$0x3FAE] =	sst s0;
	s0 =	simm.s32 @!p1 $0x0  }
0x14: {  	s2 =	sld [smem:$0x3F92];
	s0 =	simm.s32 @p1 $0x1  }
0x15: {  	[smem:$0x3FAF] =	sst s0;
	s0 =	simm.s32 @!p2 $0x0  }
0x16: {  	s3 =	sld [smem:$0x3FDB];
	s0 =	simm.s32 @p2 $0x1  }
0x17: {  	s4 =	simm.s32 $0x1BF5;
	[smem:$0x3FB1] =	sst s0  }
0x18: {  	s0 =	sld [smem:$0x3F94];
	_ =	swait.ge [sflag:s4], $0x0  }
0x19: {  	s7 =	sld [smem:$0x3F95]  }
0x1a: {  	s8 =	sadd.s32 $0xFFFFE003, lr  }
0x1b: {  	s9 =	sadd.s32 $0xFFFFFEF7, lr;
	s5 =	simm.s32 $0xFFFFFFFF;
	p2 =	slt.u32 s8, $0xFFFFF086  }
0x1c: {  	p1 =	slt.u32 s9, $0xF7A;
	s5 =	simm.s32 @!p2 $0x0  }
0x1d: {  	s5 =	simm.s32 @p1 $0x1;
	p0 =	seq.s32 s7, s2  }
0x1e: {  	s7 =	smul.u32 @!p0 $0xF7A, s2;
	p2 =	seq.s32 @!p0 s5, $0x0  }
0x1f: {  	s9 =	smul.u32 $0xF7A, s1;
	s8 =	simm.s32 @!p0 $0x1BF5;
	p2 =	por !p2, p0  }
0x20: {  	[sflag:s8] =	ssyncset.s32 @!p0 $0xFFFFF086;
	s6 =	sadd.s32 @!p0 s3, s7;
	s7 =	simm.s32 @!p0 $0x108  }
0x21: {  	s3 =	sadd.s32 s3, s9;
	s6 =	sadd.s32 @!p0 $0x88, s6;
	s7 =	simm.s32 @p2 $0x1082  }
0x22: {  	[simem:s7], [sflag:s8] =	dma.local @!p0 [hbm:s6], $0xF7A  }
0x23: {  	s9 =	sor.u32 $0xD0000000, s2;
	s6 =	simm.s32 $0x108;
	_ =	swait.ge @!p0 [sflag:s8], $0x0  }
0x24: {  	s3 =	sadd.s32 $0x88, s3;
	s6 =	simm.s32 @!p1 $0x1082;
	[sflag:s4] =	ssyncset.s32 $0xFFFFF086  }
0x25: {  	[simem:s6], [sflag:s4] =	dma.local [hbm:s3], $0xF7A  }
0x26: {  	[smem:$0x3F95] =	sst s1;
	(tag) =	ssettag s2;
	_ =	strace s9  }
0x27: {  	s1 =	sld [smem:$0x3FA5]  }
0x28: {  	s2 =	sld [smem:$0x3FA6]  }
0x29: {  	s4 =	sld [smem:$0x3FA8]  }
0x2a: {  	p0 =	seq.s32 s5, $0x0;
	s5 =	sld [smem:$0x3FA9]  }
0x2b: {  	s6 =	sld [smem:$0x3FAA]  }
0x2c: {  	s7 =	sld [smem:$0x3FAB]  }
0x2d: {  	s3 =	simm.s32 $0x108;
	s8 =	sld [smem:$0x3FAC]  }
0x2e: {  	s3 =	simm.s32 @!p0 $0x1082;
	s9 =	sld [smem:$0x3FAD]  }
0x2f: {  	lr =	sadd.s32 s0, s3;
	s0 =	sld [smem:$0x3FA4]  }
0x30: {  	s3 =	sld [smem:$0x3FA7]  }
0x31: {  	[smem:$0x3FB0] =	sst s10  }
0x32: {  	s10 =	sld [smem:$0x3FAE];
	_ =	sdelay $0x3  }
0x33: {  	p0 =	seq.s32 s10, $0x1;
	s10 =	sld [smem:$0x3FB0];
	_ =	sdelay $0x3  }
0x34: {  	[smem:$0x3FB0] =	sst s10  }
0x35: {  	s10 =	sld [smem:$0x3FAF];
	_ =	sdelay $0x3  }
0x36: {  	p1 =	seq.s32 s10, $0x1;
	s10 =	sld [smem:$0x3FB0];
	_ =	sdelay $0x3  }
0x37: {  	[smem:$0x3FB0] =	sst s10  }
0x38: {  	s10 =	sld [smem:$0x3FB1]  }
0x39: {  	_ = 	snop;
	(pc) =	sbr.ind lr, $3  }
0x3a: {  	_ = 	snop  }
0x3b: {  	_ = 	snop  }
0x3c: {  	p2 =	seq.s32 s10, $0x1;
	s10 =	sld [smem:$0x3FB0]  }
0x3d: {  	_ =	shalt  }
0x3e: {  	_ =	shalt  }
0x3f: {  	_ =	shalt  }
0x40: {  	_ =	shalt  }
0x41: {  	_ =	shalt  }
0x42: {  	_ =	shalt  }
0x43: {  	_ =	shalt  }
0x44: {  	_ =	shalt  }
0x45: {  	_ =	shalt  }
0x46: {  	_ =	shalt  }
0x47: {  	_ =	shalt  }
0x48: {  	_ =	shalt  }
0x49: {  	_ =	shalt  }
0x4a: {  	_ =	shalt  }
0x4b: {  	_ =	shalt  }
0x4c: {  	_ =	shalt  }
0x4d: {  	_ =	shalt  }
0x4e: {  	_ =	shalt  }
0x4f: {  	_ =	shalt  }
0x50: {  	_ =	shalt  }
0x51: {  	_ =	shalt  }
0x52: {  	_ =	shalt  }
0x53: {  	_ =	shalt  }
0x54: {  	_ =	shalt  }
0x55: {  	_ =	shalt  }
0x56: {  	_ =	shalt  }
0x57: {  	_ =	shalt  }
0x58: {  	_ =	shalt  }
0x59: {  	_ =	shalt  }
0x5a: {  	_ =	shalt  }
0x5b: {  	_ =	shalt  }
0x5c: {  	_ =	shalt  }
0x5d: {  	_ =	shalt  }
0x5e: {  	_ =	shalt  }
0x5f: {  	_ =	shalt  }
0x60: {  	_ =	shalt  }
0x61: {  	_ =	shalt  }
0x62: {  	_ =	shalt  }
0x63: {  	_ =	shalt  }
0x64: {  	_ =	shalt  }
0x65: {  	_ =	shalt  }
0x66: {  	_ =	shalt  }
0x67: {  	_ =	shalt  }
0x68: {  	_ =	shalt  }
0x69: {  	_ =	shalt  }
0x6a: {  	_ =	shalt  }
0x6b: {  	_ =	shalt  }
0x6c: {  	_ =	shalt  }
0x6d: {  	_ =	shalt  }
0x6e: {  	_ =	shalt  }
0x6f: {  	_ =	shalt  }
0x70: {  	_ =	shalt  }
0x71: {  	_ =	shalt  }
0x72: {  	_ =	shalt  }
0x73: {  	_ =	shalt  }
0x74: {  	_ =	shalt  }
0x75: {  	_ =	shalt  }
0x76: {  	_ =	shalt  }
0x77: {  	_ =	shalt  }
0x78: {  	_ =	shalt  }
0x79: {  	_ =	shalt  }
0x7a: {  	_ =	shalt  }
0x7b: {  	_ =	shalt  }
0x7c: {  	_ =	shalt  }
0x7d: {  	_ =	shalt  }
0x7e: {  	_ =	shalt  }
0x7f: {  	_ =	shalt  }
0x80: {  	_ =	shalt  }
0x81: {  	_ =	shalt  }
0x82: {  	_ =	shalt  }
0x83: {  	_ =	shalt  }
0x84: {  	_ =	shalt  }
0x85: {  	_ =	shalt  }
0x86: {  	_ =	shalt  }
0x87: {  	_ =	shalt  }
.Lfunc_end0:
.L_simem_size_0:
called_computation.1_lowered:
.L_overlay_start_0:
0x88: {  	s2 =	sld [smem:$0x3FD9]  }
0x89: {  	s3 =	sld [smem:$0x3FFE];
	_ =	sdelay $0x1  }
0x8a: {  	s1 =	srdreg.scid  }
0x8b: {  	s0 =	sand.u32 $0x1, s1  }
0x8c: {  	s16 =	sshll.u32 s0, $0xA;
	s2 =	sadd.s32 s3, s2  }
0x8d: {  	s2 =	sadd.s32 s2, s16  }
0x8e: {  	[smem:$0x3FBC] =	sst s2  }
0x8f: {  	_ = 	snop  }
0x90: {  	(tm) =	ssettm $0x1  }
0x91: {  	s17 =	sld [smem:$0x3FFB];
	_ =	sdelay $0x3  }
0x92: {  	_ =	strace s17  }
0x93: {  	s2 =	sld [smem:$0x3FFC];
	_ =	sdelay $0x3  }
0x94: {  	_ =	strace s2  }
0x95: {  	s2 =	sld [smem:$0x3FFD];
	_ =	sdelay $0x3  }
0x96: {  	_ =	strace s2  }
0x97: {  	_ =	strace $0x8FFFFFFF  }
0x98: {  	s18 =	sld [smem:$0x3FDB];
	_ =	sdelay $0x1  }
0x99: {  	s19 =	simm.s32 $_scs_section_size  }
0x9a: {  	s4 =	simm.s32 $_size__tile_overlayer_lowered;
	s5 =	simm.s32 $_tile_overlayer_lowered  }
0x9b: {  	s22 =	simm.s32 $0x1BFF;
	s21 =	sshll.u32 s5, $0x1;
	s2 =	sadd.s32 s19, s18  }
0x9c: {  	s6 =	simm.s32 $0x0;
	s20 =	sshll.u32 s4, $0x1;
	s4 =	sadd.s32 s21, s2  }
0x9d: {  	[timem:s6], [sflag:s22] =	dma.local [hbm:s4], s20  }
0x9e: {  	_ =	swait.ge [sflag:s22], s20  }
0x9f: {  	s3 =	ssub.s32 $0x0, s20;
	[sflag:s22] =	ssyncset.done $0x0  }
0xa0: {  	[sflag:s22] =	ssyncadd.s32 s3;
	_ =	sdelay $0x1  }
0xa1: {  	s23 =	simm.s32 $0x1B8B  }
0xa2: {  	_ =	swait.ge [sflag:s23], $0x1  }
0xa3: {  	[sflag:s23] =	ssyncset.done $0x0  }
0xa4: {  	s25 =	simm.s32 $0x1B8E;
	s24 =	sld [smem:$0x3FFE];
	[sflag:s23] =	ssyncadd.s32 $0xFFFFFFFF  }
0xa5: {  	s26 =	simm.s32 $execute0_lowered;
	[smem:$0x3FD2] =	sst s25  }
0xa6: {  	s4 =	sshll.u32 s26, $0x1;
	_ =	strace $0x80000049;
	[dreg:$0x1] =	wrdreg $0xFFFFFFFF  }
0xa7: {  	s28 =	simm.s32 $_size_execute0_lowered;
	s2 =	sadd.s32 s2, s4;
	[dreg:$0x0] =	wrdreg $0x0  }
0xa8: {  	s4 =	sshll.u32 s28, $0x1;
	[dreg:$0x2] =	wrdreg s2  }
0xa9: {  	[dreg:$0x3] =	wrdreg s4  }
0xaa: {  	[dreg:$0x4] =	wrdreg $0xC0  }
0xab: {  	_ =	task [dreg:s6], $0x5FFFF  }
0xac: {  	[dreg:$0x1] =	wrdreg $0xFFFFFFFF  }
0xad: {  	[dreg:$0x0] =	wrdreg $0x60  }
0xae: {  	[dreg:$0x2] =	wrdreg s24  }
0xaf: {  	[dreg:$0x3] =	wrdreg $0x138400  }
0xb0: {  	[dreg:$0x4] =	wrdreg $0x12C000  }
0xb1: {  	[dreg:$0x5] =	wrdreg $0x9  }
0xb2: {  	_ =	task.clear_ibuf [dreg:s6], $0x6FFFF;
	_ =	strace $0x90000049  }
0xb3: {  	s29 =	simm.s32 $0x9;
	_ =	strace $0x8000004B  }
0xb4: {  	_ =	swait.ge [sflag:s29], $0x1  }
0xb5: {  	[sflag:s29] =	ssyncadd.s32 $0xFFFFFFFF  }
0xb6: {  	_ =	strace $0x9000004B  }
0xb7: {  	_ =	sfence  }
0xb8: {  	s30 =	sld [smem:$0x0];
	_ =	sdelay $0x2  }
0xb9: {  	s31 =	sshll.u32 s1, $0xD;
	s1 =	sshrl.u32 s1, $0x2  }
0xba: {  	s3 =	sand.u32 $0x4000, s31;
	s1 =	sadd.s32 s1, s30  }
0xbb: {  	s0 =	sor.u32 s3, s0;
	s1 =	sshll.u32 s1, $0x11  }
0xbc: {  	s0 =	sor.u32 s1, s0  }
0xbd: {  	s0 =	sadd.s32 $0x8F2B, s0  }
0xbe: {  	[sflag:s0] =	ssyncadd.remote.s32 $0x1  }
0xbf: {  	_ =	sfence.sel $0xFFFF  }
0xc0: {  	[dreg:$0x0] =	wrdreg $0xFFFFFFFF;
	(pc) =	sbr.abs _section_cstart, $3  }
0xc1: {  	[dreg:$0x1] =	wrdreg $0xFFFFFFFF  }
0xc2: {  	_ =	task.clear_ibuf [dreg:s6], $0x2FFFF;
	_ =	strace $0x9FFFFFFF  }
0xc3: {  	(tm) =	ssettm $0x7FFFFFFF  }
tec
execute0_lowered:
.L_overlay_start_1:
0x0: {  	(tag) =	ssettag $0x1  }
0x1: {  	s0 =	rddreg [dreg:$0x0]  }
0x2: {  	s2 =	rddreg [dreg:$0x1]  }
0x3: {  	s3 =	rddreg [dreg:$0x2];
	s7 =	stileid.u32  }
0x4: {  	s5 =	simm.s32 $0x0;
	s4 =	srdreg.scid;
	s16 =	simm.s32 $0xC800  }
0x5: {  	s17 =	simm.s32 $0x3;
	s21 =	simm.s32 $0x80;
	s19 =	simm.s32 $0x1  }
0x6: {  	s20 =	simm.s32 $0x2;
	s22 =	simm.s32 $0x0;
	s1 =	smul.u32 $0xC40, s7  }
0x7: {  	[smem:$0x7FF] =	sst s5;
	s4 =	sand.u32 $0x1, s4;
	s10 =	sadd.s32 $0x2000, s0  }
0x8: {  	s13 =	sadd.s32 $0x32A20, s0;
	_ =	strace $0x8000004A;
	s6 =	smul.u32 $0xC400, s4  }
0x9: {  	s29 =	sshll.u32 s4, $0x4;
	s4 =	ssub.s32 $0x2, s4;
	s28 =	sshrl.u32 s1, $0x3  }
0xa: {  	s18 =	sor.u32 s7, s29;
	s31 =	sshrl.u32 s4, $0x1;
	s5 =	sadd.s32 s1, s2  }
0xb: {  	s8 =	sadd.s32 s28, s0;
	s6 =	sadd.s32 s1, s6;
	s7 =	smul.u32 $0x6400, s18  }
0xc: {  	s4 =	ssub.s32 s4, s31;
	s11 =	smul.u32 $0xC80, s18;
	p0 =	seq.s32 s18, $0x1F  }
0xd: {  	s18 =	simm.s32 $0xCB80;
	s30 =	sshrl.u32 s6, $0x3;
	s6 =	sadd.s32 $0x34A00, s8  }
0xe: {  	s15 =	smax.u32 s4, $0x1;
	s4 =	simm.s32 $0x380;
	s14 =	sadd.s32 s30, s0  }
0xf: {  	s9 =	sshrl.u32 s7, $0x3;
	s7 =	sadd.s32 $0x36280, s8;
	s8 =	sadd.s32 $0x37C00, s8  }
0x10: {  	s12 =	sadd.s32 s10, s9;
	s9 =	sadd.s32 s1, s3;
	s10 =	sadd.s32 s10, s11  }
0x11: {  	v0 =	vimm.f32 $0.0e+00;
	s14 =	sadd.s32 $0x39600, s14;
	s11 =	sadd.s32 $0x186A0, s12;
	s12 =	sadd.s32 $0x1A380, s0  }
.LBB2_1:
0x12: {  	s23 =	simm.s32 $0x40;
	s24 =	simm.s32 $0x0  }
.LBB2_2:
0x13: {  	p1 =	sne.s32 s23, $0x30C0;
	[tilespmem:s24+$0xC800] =	vst v0;
	s24 =	smov.u32 s23;
	s23 =	sadd.s32 $0x40, s23  }
.Ltmp0:
0x14: {  	(pc) =	sbr.rel @p1 .LBB2_2-.Ltmp0, $2  }
0x15: {  	_ =	sdelay $0x2  }
0x16: {  	s24 =	sshra.s32 s24, $0x2  }
0x17: {  	[tilespmem:s24+$0xC800] =	vst v0  }
0x18: {  	[spmem:s5] =	stream.linear.scatter [tilespmem:s16], [sflag:$0x3], $0xC40, $0x38;
	[tilespmem:$0x14480] =	vst v63  }
0x19: {  	_ =	swait.ge [sflag:s17], $0xC40  }
0x1a: {  	[sflag:s17] =	ssyncset.done $0x0  }
0x1b: {  	s23 =	simm.s32 $0x0;
	[sflag:s17] =	ssyncadd.s32 $0xFFFFF3C0  }
0x1c: {  	[tilespmem:s16], [sflag:$0x3] =	stream.linear.gather [hbm4b:s6+s23], $0xC40, $0x38;
	[tilespmem:$0x14480] =	vst v63  }
0x1d: {  	_ =	swait.ge [sflag:s17], $0xC40  }
0x1e: {  	[sflag:s17] =	ssyncset.done $0x0  }
0x1f: {  	s0 =	simm.s32 $0xD440;
	[sflag:s17] =	ssyncadd.s32 $0xFFFFF3C0  }
0x20: {  	[tilespmem:s0], [sflag:$0x3] =	stream.linear.gather [hbm4b:s7+s23], $0xC40, $0x38;
	[tilespmem:$0x14480] =	vst v63  }
0x21: {  	_ =	swait.ge [sflag:s17], $0xC40  }
0x22: {  	[sflag:s17] =	ssyncset.done $0x0  }
0x23: {  	s26 =	simm.s32 $0xE080;
	[sflag:s17] =	ssyncadd.s32 $0xFFFFF3C0  }
0x24: {  	[tilespmem:s26], [sflag:$0x3] =	stream.linear.gather [hbm4b:s8+s23], $0xC40, $0x38;
	[tilespmem:$0x14480] =	vst v63  }
0x25: {  	_ =	swait.ge [sflag:s17], $0xC40  }
0x26: {  	[sflag:s17] =	ssyncset.done $0x0  }
0x27: {  	s29 =	simm.s32 $0x0;
	[sflag:s17] =	ssyncadd.s32 $0xFFFFF3C0  }
0x28: {  	v1 =	vld [tilespmem:s29+$0xC800]  }
0x29: {  	v2 =	vld [tilespmem:s29+$0xD440];
	_ =	sdelay $0x2  }
0x2a: {  	s24 =	simm.s32 $0x10  }
0x2b: {  	v3 =	vld [tilespmem:s24+$0xC800]  }
0x2c: {  	v1 =	vadd.f32 v2, v1;
	v2 =	vld [tilespmem:s24+$0xD440];
	_ =	sdelay $0x1  }
0x2d: {  	v1 =	vadd.f32 $1.000000000e+00, v1;
	_ =	sdelay $0x1  }
0x2e: {  	s25 =	simm.s32 $0x20;
	v4 =	vshrl.u32 v1, $0x1;
	v5 =	vmul.f32 $5.000000000e-01, v1  }
0x2f: {  	v6 =	vld [tilespmem:s25+$0xD440];
	v1 =	vsub.s32 $0x5F3759DF, v4;
	v2 =	vadd.f32 v2, v3  }
0x30: {  	v4 =	vld [tilespmem:s25+$0xC800];
	v3 =	vmul.f32 v1, v5  }
0x31: {  	v2 =	vadd.f32 $1.000000000e+00, v2  }
0x32: {  	v3 =	vmul.f32 v1, v3  }
0x33: {  	s23 =	simm.s32 $0x30;
	v7 =	vshrl.u32 v2, $0x1;
	v8 =	vmul.f32 $5.000000000e-01, v2  }
0x34: {  	v9 =	vld [tilespmem:s23+$0xD440];
	v2 =	vsub.f32 $1.500000000e+00, v3;
	v3 =	vsub.s32 $0x5F3759DF, v7  }
0x35: {  	v7 =	vld [tilespmem:s23+$0xC800];
	v4 =	vadd.f32 v6, v4;
	v6 =	vmul.f32 v3, v8  }
0x36: {  	v1 =	vmul.f32 v1, v2  }
0x37: {  	v2 =	vadd.f32 $1.000000000e+00, v4;
	v4 =	vmul.f32 v3, v6  }
0x38: {  	v6 =	vmul.f32 v1, v5  }
0x39: {  	s26 =	simm.s32 $0x40;
	v10 =	vshrl.u32 v2, $0x1;
	v2 =	vmul.f32 $5.000000000e-01, v2;
	v4 =	vsub.f32 $1.500000000e+00, v4  }
0x3a: {  	v11 =	vld [tilespmem:s26+$0xC800];
	v10 =	vsub.s32 $0x5F3759DF, v10;
	v7 =	vadd.f32 v9, v7;
	v6 =	vmul.f32 v6, v1  }
0x3b: {  	v12 =	vld [tilespmem:s26+$0xD440];
	v9 =	vmul.f32 v10, v2  }
0x3c: {  	v3 =	vmul.f32 v3, v4;
	v4 =	vsub.f32 $1.500000000e+00, v6;
	v6 =	vadd.f32 $1.000000000e+00, v7  }
0x3d: {  	v7 =	vmul.f32 v10, v9  }
0x3e: {  	v9 =	vmul.f32 v3, v8;
	v4 =	vmul.f32 v4, v1;
	v13 =	vshrl.u32 v6, $0x1  }
0x3f: {  	v1 =	vmul.f32 $5.000000000e-01, v6;
	v6 =	vsub.f32 $1.500000000e+00, v7;
	v16 =	vsub.s32 $0x5F3759DF, v13  }
0x40: {  	s28 =	simm.s32 $0x50;
	v7 =	vmul.f32 v9, v3;
	v9 =	vadd.f32 v12, v11;
	v5 =	vmul.f32 v4, v5  }
0x41: {  	v14 =	vld [tilespmem:s28+$0xC800];
	v11 =	vmul.f32 v16, v1;
	v6 =	vmul.f32 v10, v6  }
0x42: {  	v15 =	vld [tilespmem:s28+$0xD440];
	v7 =	vsub.f32 $1.500000000e+00, v7;
	v9 =	vadd.f32 $1.000000000e+00, v9;
	v10 =	vmul.f32 v5, v4  }
0x43: {  	v12 =	vmul.f32 v16, v11;
	v13 =	vmul.f32 v6, v2  }
0x44: {  	v5 =	vmul.f32 v7, v3;
	v3 =	vmul.f32 $5.000000000e-01, v9  }
0x45: {  	v7 =	vld [tilespmem:s29+$0xE080];
	v11 =	vsub.f32 $1.500000000e+00, v10;
	v10 =	vshrl.u32 v9, $0x1;
	v17 =	vsub.f32 $1.500000000e+00, v12  }
0x46: {  	s30 =	simm.s32 $0x60;
	v12 =	vmul.f32 v13, v6;
	v10 =	vsub.s32 $0x5F3759DF, v10;
	v13 =	vmul.f32 v5, v8  }
0x47: {  	s31 =	simm.s32 $0x1C0;
	v14 =	vadd.f32 v15, v14;
	v9 =	vld [tilespmem:s30+$0xC800];
	v15 =	vmul.f32 v10, v3;
	v8 =	vmul.f32 v16, v17  }
.LBB2_4:
0x48: {  	p1 =	sne.s32 s31, $0x30C0;
	v16 =	vld [tilespmem:s30+$0xD440];
	v12 =	vsub.f32 $1.500000000e+00, v12;
	v13 =	vmul.f32 v13, v5;
	v17 =	vmul.f32 v11, v4;
	v4 =	vmovc v5;
	v18 =	vmovc v3;
	s0 =	smov.u32 s31;
	s31 =	sadd.s32 $0x40, s31  }
.Ltmp1:
0x49: {  	v19 =	vmovc v10;
	s1 =	smov.u32 s28;
	s28 =	smov.u32 s30;
	v3 =	vadd.f32 $1.000000000e+00, v14;
	v14 =	vmul.f32 v10, v15;
	v15 =	vmul.f32 v8, v1;
	(pc) =	sbr.rel @p1 .LBB2_4-.Ltmp1, $4  }
0x4a: {  	v5 =	vmul.f32 v12, v6;
	v11 =	vsub.f32 $1.500000000e+00, v13;
	v17 =	vmul.f32 v17, v7;
	v7 =	vld [tilespmem:s24+$0xE080];
	v6 =	vmovc v8  }
0x4b: {  	v8 =	vshrl.u32 v3, $0x1;
	v3 =	vmul.f32 $5.000000000e-01, v3;
	v20 =	vsub.f32 $1.500000000e+00, v14  }
0x4c: {  	s30 =	sshra.s32 s0, $0x2;
	v12 =	vmul.f32 v15, v6;
	v10 =	vsub.s32 $0x5F3759DF, v8;
	v13 =	vmul.f32 v5, v2;
	[tilespmem:s29+$0xECC0] =	vst v17;
	v2 =	vmovc v1;
	s29 =	smov.u32 s24;
	s24 =	smov.u32 s25  }
0x4d: {  	v1 =	vmovc v18;
	s25 =	smov.u32 s23;
	s23 =	smov.u32 s26;
	s26 =	smov.u32 s1;
	v14 =	vadd.f32 v16, v9;
	v9 =	vld [tilespmem:s30+$0xC800];
	v15 =	vmul.f32 v10, v3;
	v8 =	vmul.f32 v19, v20  }
0x4e: {  	v16 =	vld [tilespmem:s30+$0xD440];
	_ =	sdelay $0x1  }
0x4f: {  	v12 =	vsub.f32 $1.500000000e+00, v12;
	v13 =	vmul.f32 v13, v5;
	v4 =	vmul.f32 v11, v4  }
0x50: {  	v34 =	vadd.f32 $1.000000000e+00, v14;
	v35 =	vmul.f32 v10, v15;
	v36 =	vmul.f32 v8, v1  }
0x51: {  	v6 =	vmul.f32 v12, v6;
	v4 =	vmul.f32 v4, v7  }
0x52: {  	v13 =	vsub.f32 $1.500000000e+00, v13;
	v37 =	vshrl.u32 v34, $0x1;
	v9 =	vadd.f32 v16, v9  }
0x53: {  	v11 =	vmul.f32 $5.000000000e-01, v34;
	v38 =	vsub.f32 $1.500000000e+00, v35;
	v39 =	vmul.f32 v36, v8  }
0x54: {  	v7 =	vsub.s32 $0x5F3759DF, v37;
	v2 =	vmul.f32 v6, v2;
	v9 =	vadd.f32 $1.000000000e+00, v9  }
0x55: {  	v44 =	vmul.f32 v13, v5;
	v40 =	vmul.f32 v7, v11  }
0x56: {  	v42 =	vld [tilespmem:s24+$0xE080];
	v41 =	vmul.f32 v10, v38;
	v43 =	vshrl.u32 v9, $0x1;
	v9 =	vmul.f32 $5.000000000e-01, v9  }
0x57: {  	v14 =	vsub.f32 $1.500000000e+00, v39;
	v2 =	vmul.f32 v2, v6;
	v46 =	vsub.s32 $0x5F3759DF, v43  }
0x58: {  	v47 =	vmul.f32 v41, v3;
	v17 =	vmul.f32 v46, v9  }
0x59: {  	[tilespmem:s29+$0xECC0] =	vst v4;
	v45 =	vmul.f32 v7, v40;
	v48 =	vmul.f32 v14, v8  }
0x5a: {  	v49 =	vld [tilespmem:s25+$0xE080];
	v2 =	vsub.f32 $1.500000000e+00, v2;
	v50 =	vmul.f32 v47, v41;
	v51 =	vmul.f32 v46, v17  }
0x5b: {  	v5 =	vmul.f32 v44, v42;
	v13 =	vsub.f32 $1.500000000e+00, v45;
	v1 =	vmul.f32 v48, v1  }
0x5c: {  	v2 =	vmul.f32 v2, v6;
	v52 =	vsub.f32 $1.500000000e+00, v50;
	v53 =	vsub.f32 $1.500000000e+00, v51  }
0x5d: {  	v7 =	vmul.f32 v7, v13;
	v1 =	vmul.f32 v1, v48  }
0x5e: {  	v54 =	vmul.f32 v52, v41;
	v55 =	vmul.f32 v46, v53  }
0x5f: {  	[tilespmem:s24+$0xECC0] =	vst v5;
	v2 =	vmul.f32 v2, v49;
	v56 =	vmul.f32 v7, v11  }
0x60: {  	v57 =	vld [tilespmem:s23+$0xE080];
	v3 =	vmul.f32 v54, v3;
	v58 =	vmul.f32 v55, v9  }
0x61: {  	v1 =	vsub.f32 $1.500000000e+00, v1;
	v5 =	vmul.f32 v56, v7  }
0x62: {  	[tilespmem:s25+$0xECC0] =	vst v2;
	v2 =	vmul.f32 v3, v54;
	v3 =	vmul.f32 v58, v55  }
0x63: {  	v1 =	vmul.f32 v1, v48;
	v59 =	vld [tilespmem:s26+$0xE080];
	v5 =	vsub.f32 $1.500000000e+00, v5  }
0x64: {  	v2 =	vsub.f32 $1.500000000e+00, v2;
	v3 =	vsub.f32 $1.500000000e+00, v3  }
0x65: {  	v1 =	vmul.f32 v1, v57;
	v5 =	vmul.f32 v5, v7  }
0x66: {  	v2 =	vmul.f32 v2, v54;
	v3 =	vmul.f32 v3, v55  }
0x67: {  	v60 =	vmul.f32 v5, v11  }
0x68: {  	[tilespmem:s23+$0xECC0] =	vst v1;
	v1 =	vmul.f32 v2, v59;
	v2 =	vmul.f32 v3, v9  }
0x69: {  	v61 =	vmul.f32 v60, v5  }
0x6a: {  	v62 =	vld [tilespmem:s28+$0xE080];
	[tilespmem:s26+$0xECC0] =	vst v1;
	v1 =	vmul.f32 v2, v3  }
0x6b: {  	v63 =	vld [tilespmem:s30+$0xE080];
	v2 =	vsub.f32 $1.500000000e+00, v61  }
0x6c: {  	v1 =	vsub.f32 $1.500000000e+00, v1  }
0x6d: {  	v2 =	vmul.f32 v2, v5  }
0x6e: {  	v1 =	vmul.f32 v1, v3  }
0x6f: {  	v2 =	vmul.f32 v2, v62  }
0x70: {  	v1 =	vmul.f32 v1, v63  }
0x71: {  	[tilespmem:s28+$0xECC0] =	vst v2  }
0x72: {  	s0 =	simm.s32 $0xECC0;
	[tilespmem:s30+$0xECC0] =	vst v1  }
0x73: {  	[spmem:s9] =	stream.linear.scatter [tilespmem:s0], [sflag:$0x3], $0xC40, $0x38;
	[tilespmem:$0x14480] =	vst v63  }
0x74: {  	_ =	swait.ge [sflag:s17], $0xC40  }
0x75: {  	[sflag:s17] =	ssyncset.done $0x0  }
0x76: {  	[sflag:s17] =	ssyncadd.s32 $0xFFFFF3C0  }
0x77: {  	s1 =	simm.s32 @p0 $0x3;
	s0 =	simm.s32 @p0 $0x0;
	[bflag:$0x0] =	sbarrier.arrive $0xFFFF  }
0x78: {  	[tilespmem:s0], [sflag:$0x3] =	stream.linear.gather @p0 [hbm4b:s12+s0], $0x1900, $0x38;
	[tilespmem:$0x14480] =	vst v63  }
0x79: {  	_ =	swait.ge @p0 [sflag:s1], $0x1900  }
0x7a: {  	[sflag:s1] =	ssyncset.done @p0 $0x0  }
0x7b: {  	s23 =	simm.s32 @p0 $0x6400;
	[sflag:s1] =	ssyncadd.s32 @p0 $0xFFFFE700  }
0x7c: {  	[tilespmem:s23], [sflag:$0x3] =	stream.linear.gather @p0 [hbm4b:s13+s0], $0x1900, $0x38;
	[tilespmem:$0x14480] =	vst v63  }
0x7d: {  	_ =	swait.ge @p0 [sflag:s1], $0x1900  }
0x7e: {  	[sflag:s1] =	ssyncset.done @p0 $0x0  }
0x7f: {  	s0 =	simm.s32 @!p0 $0x0;
	[sflag:s1] =	ssyncadd.s32 @p0 $0xFFFFE700;
	s1 =	simm.s32 @!p0 $0x3  }
0x80: {  	[tilespmem:s0], [sflag:$0x3] =	stream.linear.gather @!p0 [hbm4b:s10+s0], $0x6400, $0x38;
	[tilespmem:$0x14480] =	vst v63  }
0x81: {  	_ =	swait.ge @!p0 [sflag:s1], $0x6400  }
0x82: {  	[sflag:s1] =	ssyncset.done @!p0 $0x0  }
0x83: {  	s23 =	simm.s32 @!p0 $0x6400;
	[sflag:s1] =	ssyncadd.s32 @!p0 $0xFFFF9C00  }
0x84: {  	[tilespmem:s23], [sflag:$0x3] =	stream.linear.gather @!p0 [hbm4b:s11+s0], $0x6400, $0x38;
	[tilespmem:$0x14480] =	vst v63  }
0x85: {  	_ =	swait.ge @!p0 [sflag:s1], $0x6400  }
0x86: {  	[sflag:s1] =	ssyncset.done @!p0 $0x0  }
0x87: {  	s24 =	simm.s32 $0x0;
	[sflag:s1] =	ssyncadd.s32 @!p0 $0xFFFF9C00  }
0x88: {  	[tilespmem:s16], [sflag:$0x1] =	stream.indirect.gather [spmem:s3], $0x1, s24, s21, $0xb8;
	[tilespmem:$0x14480] =	vst v63  }
0x89: {  	s25 =	simm.s32 $0xC880  }
0x8a: {  	[tilespmem:s25], [sflag:$0x1] =	stream.indirect.gather [spmem:s3], $0x1, s21, s21, $0xb8;
	[tilespmem:$0x14480] =	vst v63  }
0x8b: {  	s29 =	simm.s32 $0xC900;
	s26 =	simm.s32 $0x100  }
0x8c: {  	[tilespmem:s29], [sflag:$0x1] =	stream.indirect.gather [spmem:s3], $0x1, s26, s21, $0xb8;
	[tilespmem:$0x14480] =	vst v63  }
0x8d: {  	s31 =	simm.s32 $0xC980;
	s30 =	simm.s32 $0x180  }
0x8e: {  	[tilespmem:s31], [sflag:$0x1] =	stream.indirect.gather [spmem:s3], $0x1, s30, s21, $0xb8;
	[tilespmem:$0x14480] =	vst v63  }
0x8f: {  	s23 =	simm.s32 $0x200;
	s24 =	simm.s32 $0xCA00  }
0x90: {  	[tilespmem:s24], [sflag:$0x1] =	stream.indirect.gather [spmem:s3], $0x1, s23, s21, $0xb8;
	[tilespmem:$0x14480] =	vst v63  }
0x91: {  	s25 =	simm.s32 $0x280;
	s26 =	simm.s32 $0xCA80  }
0x92: {  	[tilespmem:s26], [sflag:$0x1] =	stream.indirect.gather [spmem:s3], $0x1, s25, s21, $0xb8;
	[tilespmem:$0x14480] =	vst v63  }
0x93: {  	s29 =	simm.s32 $0x300;
	s30 =	simm.s32 $0xCB00  }
0x94: {  	[tilespmem:s30], [sflag:$0x1] =	stream.indirect.gather [spmem:s3], $0x1, s29, s21, $0xb8;
	[tilespmem:$0x14480] =	vst v63  }
0x95: {  	_ = 	snop  }
0x96: {  	[tilespmem:s18], [sflag:$0x1] =	stream.indirect.gather [spmem:s3], $0x1, s4, s21, $0xb8;
	[tilespmem:$0x14480] =	vst v63  }
0x97: {  	s23 =	simm.s32 @!p0 $0xC8;
	_ =	swait.ge [sflag:s19], $0x80  }
0x98: {  	s31 =	simm.s32 $0xC800;
	s23 =	simm.s32 @p0 $0x32;
	[sflag:s19] =	ssyncset.done $0x0  }
0x99: {  	s24 =	simm.s32 $0x6400;
	p1 =	sle.u32 s23, $0x8;
	[sflag:s19] =	ssyncadd.s32 $0xFFFFFF80  }
0x9a: {  	[spmem:s2] =	stream.indirect.scatter.add.f32 [tilespmem:s31], [sflag:$0x2], $0x1, s24, s21, $0xb8;
	[tilespmem:$0x14480] =	vst v63  }
0x9b: {  	s25 =	simm.s32 $0xCC00;
	s26 =	simm.s32 $0x400;
	s0 =	simm.s32 @!p1 $0x80  }
0x9c: {  	[tilespmem:s25], [sflag:$0x1] =	stream.indirect.gather @!p1 [spmem:s3], $0x1, s26, s0, $0xb8;
	[tilespmem:$0x14480] =	vst v63  }
0x9d: {  	p1 =	sne.s32 s23, $0x1  }
.Ltmp2:
0x9e: {  	_ = 	snop;
	(pc) =	sbr.rel @!p1 .LBB2_7-.Ltmp2, $2  }
0x9f: {  	_ =	sdelay $0x2  }
0xa0: {  	s28 =	simm.s32 $0x1  }
.LBB2_6:
0xa1: {  	_ =	swait.ge [sflag:s19], $0x80  }
0xa2: {  	s25 =	sadd.s32 $0x80, s25;
	[sflag:s19] =	ssyncset.done $0x0  }
0xa3: {  	s24 =	sadd.s32 $0x80, s24;
	s0 =	sadd.s32 $0xFFFFFC00, s25;
	[sflag:s19] =	ssyncadd.s32 $0xFFFFFF80  }
0xa4: {  	[spmem:s2] =	stream.indirect.scatter.add.f32 [tilespmem:s0], [sflag:$0x2], $0x1, s24, s21, $0xb8;
	[tilespmem:$0x14480] =	vst v63  }
0xa5: {  	s0 =	sadd.s32 $0x8, s28;
	s28 =	sadd.s32 $0x1, s28  }
0xa6: {  	p2 =	sne.s32 s23, s28  }
.Ltmp3:
0xa7: {  	_ = 	snop;
	(pc) =	sbr.rel @p2 .LBB2_6-.Ltmp3, $4  }
0xa8: {  	_ = 	snop  }
0xa9: {  	p1 =	sge.u32 s0, s23  }
0xaa: {  	s26 =	sadd.s32 $0x80, s26;
	s0 =	simm.s32 @!p1 $0x80  }
0xab: {  	[tilespmem:s25], [sflag:$0x1] =	stream.indirect.gather @!p1 [spmem:s3], $0x1, s26, s0, $0xb8;
	[tilespmem:$0x14480] =	vst v63  }
.LBB2_7:
0xac: {  	p1 =	sne.s32 s23, $0x1  }
.Ltmp4:
0xad: {  	_ = 	snop;
	(pc) =	sbr.rel @!p1 .LBB2_9-.Ltmp4, $3  }
0xae: {  	_ =	sdelay $0x1  }
0xaf: {  	_ =	swait.ge [sflag:s20], $0x80  }
0xb0: {  	s23 =	sadd.s32 $0xFFFFFFFF, s23;
	[sflag:s20] =	ssyncset.done $0x0  }
.LBB2_8:
0xb1: {  	p1 =	sne.s32 s23, $0x1;
	s23 =	sadd.s32 $0xFFFFFFFF, s23;
	[sflag:s20] =	ssyncadd.s32 $0xFFFFFF80  }
.Ltmp5:
0xb2: {  	(pc) =	sbr.rel @p1 .LBB2_8-.Ltmp5, $3  }
0xb3: {  	_ =	sdelay $0x1  }
0xb4: {  	_ =	swait.ge [sflag:s20], $0x80  }
0xb5: {  	[sflag:s20] =	ssyncset.done $0x0  }
.LBB2_9:
0xb6: {  	[sflag:s20] =	ssyncadd.s32 $0xFFFFFF80  }
0xb7: {  	[bflag:$0x0] =	sbarrier.arrive $0xFFFF  }
0xb8: {  	[tilespmem:s16], [sflag:$0x3] =	stream.linear.gather [spmem:s5], $0xC40, $0x38;
	[tilespmem:$0x14480] =	vst v63  }
0xb9: {  	s22 =	sadd.s32 $0x1, s22;
	_ =	swait.ge [sflag:s17], $0xC40  }
0xba: {  	p1 =	sne.s32 s22, s15;
	[sflag:s17] =	ssyncset.done $0x0  }
.Ltmp6:
0xbb: {  	s0 =	simm.s32 $0x0;
	[sflag:s17] =	ssyncadd.s32 $0xFFFFF3C0;
	(pc) =	sbr.rel @p1 .LBB2_1-.Ltmp6, $4  }
0xbc: {  	[hbm4b:s14+s0] =	stream.linear.scatter [tilespmem:s16], [sflag:$0x3], $0xC40, $0x38;
	[tilespmem:$0x14480] =	vst v63  }
0xbd: {  	_ =	swait.ge [sflag:s17], $0xC40  }
0xbe: {  	[sflag:s17] =	ssyncset.done $0x0  }
0xbf: {  	[sflag:s17] =	ssyncadd.s32 $0xFFFFF3C0  }
0xc0: {  	_ =	sfence.sel $0x180000  }
0xc1: {  	[bflag:$0x0] =	sbarrier.arrive $0xFFFF  }
0xc2: {  	_ =	strace $0x9000004A  }
0xc3: {  	s0 =	stileid.u32;
	[bflag:$0x2] =	sbarrier.arrive $0xFFFF  }
0xc4: {  	p0 =	sne.s32 s0, $0x0;
	s0 =	rddreg [dreg:$0x3]  }
0xc5: {  	s0 =	sadd.s32 @!p0 $0x100000, s0  }
0xc6: {  	[sflag:s0] =	ssyncadd.tile.s32 @!p0 $0x1;
	_ =	shalt  }
.Lfunc_end2:
_tile_overlayer_lowered:
.L_overlay_start_2:
0xc7: {  	(tag) =	ssettag $0x2  }
0xc8: {  	s0 =	rddreg [dreg:$0x0];
	s2 =	stileid.u32  }
0xc9: {  	s1 =	rddreg [dreg:$0x1];
	p0 =	sne.s32 s2, $0x0  }
0xca: {  	s3 =	rddreg [dreg:$0x2];
	[bflag:$0x3] =	sbarrier.arrive $0xFFFF;
	s2 =	simm.s32 @!p0 $0x1C03  }
0xcb: {  	[timem:s3], [sflag:s2] =	dma.local @!p0 [hbm:s0], s1  }
0xcc: {  	s0 =	simm.s32 @!p0 $0x3  }
0xcd: {  	_ =	swait.ge @!p0 [sflag:s0], s1  }
0xce: {  	s1 =	ssub.s32 @!p0 $0x0, s1;
	[sflag:s0] =	ssyncset.done @!p0 $0x0  }
0xcf: {  	[sflag:s0] =	ssyncadd.s32 @!p0 s1  }
0xd0: {  	[bflag:$0x3] =	sbarrier.arrive $0xFFFF  }
0xd1: {  	_ =	shalt  }

</sc_bundles>
